<compile_context>
chip_gen: v7x
topology: tpu7x:2x2x1
jax: 0.10.2.dev20260603
libtpu: 0.0.44.dev20260713+nightly
codegen_flags: <defaults>
</compile_context>

<pallas_src>
import functools

import jax
import jax.numpy as jnp
from jax import lax
from jax.experimental import pallas as pl
from jax.experimental.pallas import tpu as pltpu
from jax.experimental.pallas import tpu_sc as plsc

B = 64
N = 512
NP = 513
T = 16
KEY = 32
HID = 32
FUNC = 256
IN = 1024
ENT = 256
BBLK = 8
GRID = B // BBLK

_NW = 32
_CHUNK = (B * T) // _NW


@functools.lru_cache(maxsize=1)
def _sc_gather_kernel():
    @functools.partial(
        pl.kernel,
        mesh=plsc.VectorSubcoreMesh(core_axis_name="c", subcore_axis_name="s"),
        out_type=jax.ShapeDtypeStruct((B * T, ENT), jnp.float32),
        scratch_types=[
            pltpu.VMEM((_CHUNK,), jnp.int32),
            pltpu.VMEM((_CHUNK, ENT), jnp.float32),
            pltpu.SemaphoreType.DMA,
        ],
    )
    def gather(ent_hbm, sel_hbm, out_hbm, idx_v, rows_v, sem):
        wid = lax.axis_index("s") * 2 + lax.axis_index("c")
        base = wid * _CHUNK
        pltpu.sync_copy(sel_hbm.at[pl.ds(base, _CHUNK)], idx_v)
        for s in range(_CHUNK // 16):
            pos = base + s * 16 + lax.broadcasted_iota(jnp.int32, (16,), 0)
            row_base = (pos >> 4) << 9
            idx_v[pl.ds(s * 16, 16)] = idx_v[pl.ds(s * 16, 16)] + row_base
        pltpu.async_copy(ent_hbm.at[idx_v], rows_v, sem).wait()
        pltpu.sync_copy(rows_v, out_hbm.at[pl.ds(base, _CHUNK)])

    return gather


def _sc_gather(ent2, sel_flat):
    return _sc_gather_kernel()(ent2, sel_flat)


def _fused_kernel(ar_ref, utm_ref, ent_ref, sel_ref, rows_ref, kw_ref,
                  kb_ref, fw_ref, fb_ref, f1w_ref, f1b_ref, f2w_ref,
                  f2b_ref, ew_ref, eb_ref, endw_ref, wih_ref, whh_ref,
                  bih_ref, bhh_ref, out_ref, h_s):
    i = pl.program_id(0)

    @pl.when(i == 0)
    def _prep():
        er = lax.dot_general(rows_ref[...], kw_ref[...],
                             (((1,), (1,)), ((), ())),
                             preferred_element_type=jnp.float32)
        e_sel = (er + kb_ref[...][None, :]) * (1.0 / N)

        m_fused = lax.dot_general(ew_ref[...], f1w_ref[...],
                                  (((0,), (1,)), ((), ())),
                                  preferred_element_type=jnp.float32)
        cb = lax.dot_general(eb_ref[...].reshape(1, IN), f1w_ref[...],
                             (((1,), (1,)), ((), ())),
                             preferred_element_type=jnp.float32)
        p_all = lax.dot_general(e_sel, m_fused, (((1,), (0,)), ((), ())),
                                preferred_element_type=jnp.float32) + cb
        p_all = p_all.reshape(B, T, FUNC)

        x0 = lax.dot_general(ar_ref[...], f1w_ref[...],
                             (((1,), (1,)), ((), ())),
                             preferred_element_type=jnp.float32
                             ) + f1b_ref[...][None, :]
        fe = lax.dot_general(utm_ref[...], fw_ref[...],
                             (((1,), (1,)), ((), ())),
                             preferred_element_type=jnp.float32)
        fe = jnp.maximum(fe + fb_ref[...][None, :], 0.0)

        w2 = lax.dot_general(wih_ref[...], f2w_ref[...],
                             (((1,), (0,)), ((), ())),
                             preferred_element_type=jnp.float32)
        gxb = lax.dot_general(f2b_ref[...].reshape(1, KEY), wih_ref[...],
                              (((1,), (1,)), ((), ())),
                              preferred_element_type=jnp.float32)
        gxb = gxb + (bih_ref[...] + bhh_ref[...])[None, :]
        gxb_col = lax.transpose(gxb, (1, 0))

        xi = x0
        r_rows = [jnp.maximum(xi + fe, 0.0)]
        for t in range(T):
            xi = xi + p_all[:, t, :].reshape(B, FUNC)
            r_rows.append(jnp.maximum(xi + fe, 0.0))
        gx_list = [
            lax.dot_general(w2, r, (((1,), (1,)), ((), ())),
                            preferred_element_type=jnp.float32) + gxb_col
            for r in r_rows
        ]

        h_t = jnp.zeros((HID, B), dtype=jnp.float32)
        c_t = jnp.zeros((HID, B), dtype=jnp.float32)
        h_rows = []
        for t in range(T + 1):
            g = gx_list[t] + lax.dot_general(
                whh_ref[...], h_t, (((1,), (0,)), ((), ())),
                preferred_element_type=jnp.float32)
            gi = g[0:HID, :]
            gf = g[HID:2 * HID, :]
            gg = g[2 * HID:3 * HID, :]
            go = g[3 * HID:4 * HID, :]
            c_t = jax.nn.sigmoid(gf) * c_t + jax.nn.sigmoid(gi) * jnp.tanh(gg)
            h_t = jax.nn.sigmoid(go) * jnp.tanh(c_t)
            h_rows.append(lax.transpose(h_t, (1, 0)))

        h_s[...] = jnp.concatenate(h_rows, axis=0).reshape(T + 1, B, HID)

    ent2 = ent_ref[...].reshape(BBLK * N, -1)
    kblk = lax.dot_general(ent2, kw_ref[...], (((1,), (1,)), ((), ())),
                           preferred_element_type=jnp.float32)
    kblk3 = (kblk + kb_ref[...][None, :]).reshape(BBLK, N, KEY)
    kext = jnp.concatenate(
        [kblk3, jnp.broadcast_to(endw_ref[...][None, :, :], (BBLK, 1, KEY))],
        axis=1)

    h_blk = h_s[:, pl.ds(i * BBLK, BBLK), :]
    q = lax.dot_general(h_blk, kext, (((2,), (2,)), ((1,), (0,))),
                        preferred_element_type=jnp.float32)

    selb = sel_ref[pl.ds(i * BBLK, BBLK), :]
    iota_n = lax.broadcasted_iota(jnp.int32, (BBLK, T, NP), 2)
    ohb = selb[:, :, None] == iota_n
    j_iota = lax.broadcasted_iota(jnp.int32, (BBLK, T, NP), 1)
    fs = jnp.min(jnp.where(ohb, j_iota, T + 1), axis=1)
    t_iota = lax.broadcasted_iota(jnp.int32, (BBLK, T + 1, NP), 1)
    pen = jnp.where(t_iota > fs[:, None, :], -1e9, 0.0)
    out_ref[...] = q + pen


@jax.jit
def _run(autoregressive_embedding, unit_type_mask, entity_embedding,
         selected_units, key_fc_w, key_fc_b, func_fc_w, func_fc_b,
         fc1_w, fc1_b, fc2_w, fc2_b, embed_fc_w, embed_fc_b,
         end_embedding, lstm_w_ih, lstm_w_hh, lstm_b_ih, lstm_b_hh):
    rows = _sc_gather(entity_embedding.reshape(B * N, ENT),
                      selected_units.reshape(B * T))
    full = lambda a: pl.BlockSpec(a.shape, lambda i: (0,) * a.ndim)
    args = (autoregressive_embedding, unit_type_mask, entity_embedding,
            selected_units, rows, key_fc_w, key_fc_b, func_fc_w, func_fc_b,
            fc1_w, fc1_b, fc2_w, fc2_b, embed_fc_w, embed_fc_b,
            end_embedding, lstm_w_ih, lstm_w_hh, lstm_b_ih, lstm_b_hh)
    in_specs = [full(a) for a in args]
    in_specs[2] = pl.BlockSpec((BBLK, N, entity_embedding.shape[2]),
                               lambda i: (i, 0, 0))
    return pl.pallas_call(
        _fused_kernel,
        grid=(GRID,),
        in_specs=in_specs,
        out_specs=pl.BlockSpec((BBLK, T + 1, NP), lambda i: (i, 0, 0)),
        out_shape=jax.ShapeDtypeStruct((B, T + 1, NP), jnp.float32),
        scratch_shapes=[pltpu.VMEM((T + 1, B, HID), jnp.float32)],
    )(*args)


def kernel(autoregressive_embedding, unit_type_mask, entity_embedding,
           entity_mask, selected_units, key_fc_w, key_fc_b, func_fc_w,
           func_fc_b, fc1_w, fc1_b, fc2_w, fc2_b, embed_fc_w, embed_fc_b,
           end_embedding, lstm_w_ih, lstm_w_hh, lstm_b_ih, lstm_b_hh):
    return _run(autoregressive_embedding, unit_type_mask, entity_embedding,
                selected_units, key_fc_w, key_fc_b, func_fc_w, func_fc_b,
                fc1_w, fc1_b, fc2_w, fc2_b, embed_fc_w, embed_fc_b,
                end_embedding, lstm_w_ih, lstm_w_hh, lstm_b_ih, lstm_b_hh)

# --- scband reference (transcript-rebuilt; emitter-appended) ---
"""Pipeline reference for scband-selected-units-head-2534030705150 (READ-ONLY COPY).

The authoritative reference and input builder live on the scoring server;
editing this copy changes nothing except your own understanding.
"""

import jax, jax.numpy as jnp
import numpy as np


def _lin(x, w, b):
    return x @ w.T + b


def setup_inputs(seed: int = 0):
    key = jax.random.key(seed)
    ks = jax.random.split(key, 24)
    B, N, T = 64, 512, 16
    ent_dim, key_dim, ut_dim, func_dim, in_dim, hid = 256, 32, 259, 256, 1024, 32

    def u(k, shape, fan_in):
        s = 1.0 / np.sqrt(fan_in)
        return jax.random.uniform(k, shape, minval=-s, maxval=s, dtype=jnp.float32)

    d = {}
    d["autoregressive_embedding"] = jax.random.normal(ks[0], (B, in_dim), dtype=jnp.float32)
    d["unit_type_mask"] = jax.random.uniform(ks[1], (B, ut_dim), dtype=jnp.float32)
    d["entity_embedding"] = jax.random.normal(ks[2], (B, N, ent_dim), dtype=jnp.float32)
    d["entity_mask"] = jnp.ones((B, N), dtype=jnp.float32)
    d["selected_units"] = jax.random.randint(ks[3], (B, T), 0, N, dtype=jnp.int32)
    d["key_fc_w"] = u(ks[4], (key_dim, ent_dim), ent_dim)
    d["key_fc_b"] = u(ks[5], (key_dim,), ent_dim)
    d["func_fc_w"] = u(ks[6], (func_dim, ut_dim), ut_dim)
    d["func_fc_b"] = u(ks[7], (func_dim,), ut_dim)
    d["fc1_w"] = u(ks[8], (func_dim, in_dim), in_dim)
    d["fc1_b"] = u(ks[9], (func_dim,), in_dim)
    d["fc2_w"] = u(ks[10], (key_dim, func_dim), func_dim)
    d["fc2_b"] = u(ks[11], (key_dim,), func_dim)
    d["embed_fc_w"] = u(ks[12], (in_dim, key_dim), key_dim)
    d["embed_fc_b"] = u(ks[13], (in_dim,), key_dim)
    d["end_embedding"] = u(ks[14], (1, key_dim), key_dim)
    d["lstm_w_ih"] = u(ks[15], (4 * hid, key_dim), hid)
    d["lstm_w_hh"] = u(ks[16], (4 * hid, hid), hid)
    d["lstm_b_ih"] = u(ks[17], (4 * hid,), hid)
    d["lstm_b_hh"] = u(ks[18], (4 * hid,), hid)
    return d


def reference(autoregressive_embedding, unit_type_mask, entity_embedding, entity_mask,
              selected_units, key_fc_w, key_fc_b, func_fc_w, func_fc_b, fc1_w, fc1_b,
              fc2_w, fc2_b, embed_fc_w, embed_fc_b, end_embedding,
              lstm_w_ih, lstm_w_hh, lstm_b_ih, lstm_b_hh):
    # Teacher-forcing path of SelectedUnitsHead._query (selected_units provided),
    # with all samples having the same entity count N (end_flag_index[b] == N).
    B, N, _ = entity_embedding.shape
    T = selected_units.shape[1]
    hid = lstm_w_hh.shape[1]
    # _get_key_mask: keys + appended end_embedding; use_mask=False -> mask all ones
    key = _lin(entity_embedding, key_fc_w, key_fc_b)  # [B, N, key_dim]
    end = jnp.broadcast_to(end_embedding[None, :, :], (B, 1, key.shape[-1]))
    key_pad = jnp.concatenate([key, end], axis=1)  # [B, N+1, key_dim]
    mask = jnp.ones((B, N + 1), dtype=jnp.float32)
    func_embed = jax.nn.relu(_lin(unit_type_mask, func_fc_w, func_fc_b))  # [B, func_dim]
    split_entity_num = jnp.full((B, 1), float(N), dtype=jnp.float32)
    ar = autoregressive_embedding
    h = jnp.zeros((B, hid), dtype=jnp.float32)
    c = jnp.zeros((B, hid), dtype=jnp.float32)
    binds = jnp.arange(B)
    logits = []
    for i in range(T + 1):
        # _get_query
        x = _lin(ar, fc1_w, fc1_b)
        lstm_in = _lin(jax.nn.relu(x + func_embed), fc2_w, fc2_b)  # [B, key_dim]
        # single-layer LSTM step (PyTorch gate order i, f, g, o)
        gates = lstm_in @ lstm_w_ih.T + lstm_b_ih + h @ lstm_w_hh.T + lstm_b_hh
        gi, gf, gg, go = jnp.split(gates, 4, axis=1)
        c = jax.nn.sigmoid(gf) * c + jax.nn.sigmoid(gi) * jnp.tanh(gg)
        h = jax.nn.sigmoid(go) * jnp.tanh(c)
        q = (h[:, None, :] * key_pad).sum(axis=2) - (1.0 - mask) * 1e9  # [B, N+1]
        logits.append(q)
        if i < T:
            sel = selected_units[:, i]
            mask = mask.at[binds, sel].set(0.0)
            emb_sel = key_pad[binds, sel] / split_entity_num
            ar = ar + _lin(emb_sel, embed_fc_w, embed_fc_b)
        # at i == T the original multiplies the update by selected_mask == 0, so ar is unchanged
    return jnp.stack(logits, axis=1)  # [B, T+1, N+1]

if __name__ == "__main__":
    import jax
    _d = setup_inputs()
    print(jax.jit(kernel)(*tuple(_d.values())))

</pallas_src>

<mosaic_0001>
#map = affine_map<(d0, d1) -> (0, 0)>
#map1 = affine_map<(d0, d1) -> (0)>
module attributes {stable_mosaic.version = 14 : i64} {
  func.func @gather(%arg0: i32, %arg1: i32, %arg2: memref<32768x256xf32, #tpu.memory_space<hbm>>, %arg3: memref<1024xi32, #tpu.memory_space<hbm>>, %arg4: memref<1024x256xf32, #tpu.memory_space<hbm>>, %arg5: memref<32xi32, #tpu.memory_space<vmem>>, %arg6: memref<32x256xf32, #tpu.memory_space<vmem>>, %arg7: memref<!tpu.dma_semaphore, #tpu.memory_space<semaphore_mem>>) attributes {dimension_semantics = [#tpu.dimension_semantics<core_parallel>, #tpu.dimension_semantics<subcore_parallel>], iteration_bounds = array<i64: 2, 16>, scalar_prefetch = 0 : i64, scratch_operands = 3 : i64, tpu.core_type = #tpu.core_type<sc_vector_subcore>, window_params = [{transform_indices = #map}, {transform_indices = #map1}, {transform_indices = #map}]} {
    %mul3A = arith.constant 2 : i32
    %mul3A_0 = arith.muli %arg1, %mul3A : i32
    %add3A = arith.addi %mul3A_0, %arg0 : i32
    %mul3A_1 = arith.constant 32 : i32
    %mul3A_2 = arith.muli %add3A, %mul3A_1 : i32
    "tpu.region"() ({
      %run_scoped3A = tpu.sem_alloc : memref<!tpu.dma_semaphore, #tpu.memory_space<semaphore_mem>>
      %dma_start3A_40 = tpu.memref_slice %arg3[%mul3A_2] : memref<1024xi32, #tpu.memory_space<hbm>> -> memref<32xi32, #tpu.memory_space<hbm>>
      %dma_start3A_41 = tpu.memref_slice %arg3[%mul3A_2] : memref<1024xi32, #tpu.memory_space<hbm>> -> memref<32xi32, #tpu.memory_space<hbm>>
      tpu.enqueue_dma source(%dma_start3A_41 : memref<32xi32, #tpu.memory_space<hbm>>) target(%arg5 : memref<32xi32, #tpu.memory_space<vmem>>) target_semaphore(%run_scoped3A : memref<!tpu.dma_semaphore, #tpu.memory_space<semaphore_mem>>)
      %dma_wait3A_42 = tpu.memref_slice %arg3[%mul3A_2] : memref<1024xi32, #tpu.memory_space<hbm>> -> memref<32xi32, #tpu.memory_space<hbm>>
      %dma_wait3A_43 = tpu.memref_slice %arg3[%mul3A_2] : memref<1024xi32, #tpu.memory_space<hbm>> -> memref<32xi32, #tpu.memory_space<hbm>>
      tpu.wait_dma2 semaphore(%run_scoped3A : memref<!tpu.dma_semaphore, #tpu.memory_space<semaphore_mem>>) src(%dma_wait3A_43 : memref<32xi32, #tpu.memory_space<hbm>>) dst(%arg5 : memref<32xi32, #tpu.memory_space<vmem>>)
      tpu.yield
    }) : () -> ()
    %add3A_3 = arith.constant 0 : i32
    %add3A_4 = arith.addi %mul3A_2, %add3A_3 : i32
    %iota3A = tpu.iota {dimensions = array<i32: 0>} : vector<16xi32>
    %add3A_5 = vector.broadcast %add3A_4 : i32 to vector<16xi32>
    %add3A_6 = arith.addi %add3A_5, %iota3A : vector<16xi32>
    %shift_right_arithmetic3A = arith.constant 4 : i32
    %shift_right_arithmetic3A_7 = vector.broadcast %shift_right_arithmetic3A : i32 to vector<16xi32>
    %shift_right_arithmetic3A_8 = arith.shrsi %add3A_6, %shift_right_arithmetic3A_7 : vector<16xi32>
    %shift_left3A = arith.constant 9 : i32
    %shift_left3A_9 = vector.broadcast %shift_left3A : i32 to vector<16xi32>
    %shift_left3A_10 = arith.shli %shift_right_arithmetic3A_8, %shift_left3A_9 : vector<16xi32>
    %get3A = arith.constant 0 : index
    %get3A_11 = tpu.vector_load %arg5[%get3A] {strides = array<i32>} : memref<32xi32, #tpu.memory_space<vmem>>, vector<16xi32>,
    %get3A_12 = vector.shape_cast %get3A_11 : vector<16xi32> to vector<16xi32>
    %add3A_13 = arith.addi %get3A_12, %shift_left3A_10 : vector<16xi32>
    %swap3A = arith.constant 0 : index
    %swap3A_14 = tpu.vector_load %arg5[%swap3A] {strides = array<i32>} : memref<32xi32, #tpu.memory_space<vmem>>, vector<16xi32>,
    %swap3A_15 = vector.shape_cast %swap3A_14 : vector<16xi32> to vector<16xi32>
    %swap3A_16 = vector.shape_cast %add3A_13 : vector<16xi32> to vector<16xi32>
    tpu.vector_store %arg5[%swap3A], %swap3A_16 {strides = array<i32>} : memref<32xi32, #tpu.memory_space<vmem>>, vector<16xi32>,
    %add3A_17 = arith.constant 16 : i32
    %add3A_18 = arith.addi %mul3A_2, %add3A_17 : i32
    %iota3A_19 = tpu.iota {dimensions = array<i32: 0>} : vector<16xi32>
    %add3A_20 = vector.broadcast %add3A_18 : i32 to vector<16xi32>
    %add3A_21 = arith.addi %add3A_20, %iota3A_19 : vector<16xi32>
    %shift_right_arithmetic3A_22 = arith.constant 4 : i32
    %shift_right_arithmetic3A_23 = vector.broadcast %shift_right_arithmetic3A_22 : i32 to vector<16xi32>
    %shift_right_arithmetic3A_24 = arith.shrsi %add3A_21, %shift_right_arithmetic3A_23 : vector<16xi32>
    %shift_left3A_25 = arith.constant 9 : i32
    %shift_left3A_26 = vector.broadcast %shift_left3A_25 : i32 to vector<16xi32>
    %shift_left3A_27 = arith.shli %shift_right_arithmetic3A_24, %shift_left3A_26 : vector<16xi32>
    %get3A_28 = arith.constant 16 : index
    %get3A_29 = tpu.vector_load %arg5[%get3A_28] {strides = array<i32>} : memref<32xi32, #tpu.memory_space<vmem>>, vector<16xi32>,
    %get3A_30 = vector.shape_cast %get3A_29 : vector<16xi32> to vector<16xi32>
    %add3A_31 = arith.addi %get3A_30, %shift_left3A_27 : vector<16xi32>
    %swap3A_32 = arith.constant 16 : index
    %swap3A_33 = tpu.vector_load %arg5[%swap3A_32] {strides = array<i32>} : memref<32xi32, #tpu.memory_space<vmem>>, vector<16xi32>,
    %swap3A_34 = vector.shape_cast %swap3A_33 : vector<16xi32> to vector<16xi32>
    %swap3A_35 = vector.shape_cast %add3A_31 : vector<16xi32> to vector<16xi32>
    tpu.vector_store %arg5[%swap3A_32], %swap3A_35 {strides = array<i32>} : memref<32xi32, #tpu.memory_space<vmem>>, vector<16xi32>,
    %dma_start3A = arith.constant 0 : i32
    %dma_start3A_36 = arith.constant 0 : i32
    %dma_start3A_37 = tpu.memref_slice %arg2[%dma_start3A, %dma_start3A_36] : memref<32768x256xf32, #tpu.memory_space<hbm>> -> memref<32768x256xf32, #tpu.memory_space<hbm>>
    tpu.enqueue_indirect_dma source(%dma_start3A_37 : memref<32768x256xf32, #tpu.memory_space<hbm>>) target(%arg6 : memref<32x256xf32, #tpu.memory_space<vmem>>) offsets(%arg5 : memref<32xi32, #tpu.memory_space<vmem>>) semaphore(%arg7 : memref<!tpu.dma_semaphore, #tpu.memory_space<semaphore_mem>>)
    %dma_wait3A = arith.constant 0 : i32
    %dma_wait3A_38 = arith.constant 0 : i32
    %dma_wait3A_39 = tpu.memref_slice %arg2[%dma_wait3A, %dma_wait3A_38] : memref<32768x256xf32, #tpu.memory_space<hbm>> -> memref<32768x256xf32, #tpu.memory_space<hbm>>
    tpu.wait_indirect_dma semaphore(%arg7 : memref<!tpu.dma_semaphore, #tpu.memory_space<semaphore_mem>>) src(%dma_wait3A_39 : memref<32768x256xf32, #tpu.memory_space<hbm>>) dst(%arg6 : memref<32x256xf32, #tpu.memory_space<vmem>>)
    "tpu.region"() ({
      %run_scoped3A = tpu.sem_alloc : memref<!tpu.dma_semaphore, #tpu.memory_space<semaphore_mem>>
      %dma_start3A_40 = arith.constant 0 : i32
      %dma_start3A_41 = tpu.memref_slice %arg4[%mul3A_2, %dma_start3A_40] : memref<1024x256xf32, #tpu.memory_space<hbm>> -> memref<32x256xf32, #tpu.memory_space<hbm>>
      %dma_start3A_42 = arith.constant 0 : i32
      %dma_start3A_43 = tpu.memref_slice %arg4[%mul3A_2, %dma_start3A_42] : memref<1024x256xf32, #tpu.memory_space<hbm>> -> memref<32x256xf32, #tpu.memory_space<hbm>>
      tpu.enqueue_dma source(%arg6 : memref<32x256xf32, #tpu.memory_space<vmem>>) target(%dma_start3A_43 : memref<32x256xf32, #tpu.memory_space<hbm>>) target_semaphore(%run_scoped3A : memref<!tpu.dma_semaphore, #tpu.memory_space<semaphore_mem>>)
      %dma_wait3A_44 = arith.constant 0 : i32
      %dma_wait3A_45 = tpu.memref_slice %arg4[%mul3A_2, %dma_wait3A_44] : memref<1024x256xf32, #tpu.memory_space<hbm>> -> memref<32x256xf32, #tpu.memory_space<hbm>>
      %dma_wait3A_46 = arith.constant 0 : i32
      %dma_wait3A_47 = tpu.memref_slice %arg4[%mul3A_2, %dma_wait3A_46] : memref<1024x256xf32, #tpu.memory_space<hbm>> -> memref<32x256xf32, #tpu.memory_space<hbm>>
      tpu.wait_dma2 semaphore(%run_scoped3A : memref<!tpu.dma_semaphore, #tpu.memory_space<semaphore_mem>>) src(%arg6 : memref<32x256xf32, #tpu.memory_space<vmem>>) dst(%dma_wait3A_47 : memref<32x256xf32, #tpu.memory_space<hbm>>)
      tpu.yield
    }) : () -> ()
    return
  }
}

module attributes {stable_mosaic.version = 14 : i64} {
  func.func @_fused_kernel(%arg0: i32, %arg1: memref<64x1024xf32, #tpu.memory_space<vmem>>, %arg2: memref<64x259xf32, #tpu.memory_space<vmem>>, %arg3: memref<8x512x256xf32, #tpu.memory_space<vmem>>, %arg4: memref<64x16xi32, #tpu.memory_space<vmem>>, %arg5: memref<1024x256xf32, #tpu.memory_space<vmem>>, %arg6: memref<32x256xf32, #tpu.memory_space<vmem>>, %arg7: memref<32xf32, #tpu.memory_space<vmem>>, %arg8: memref<256x259xf32, #tpu.memory_space<vmem>>, %arg9: memref<256xf32, #tpu.memory_space<vmem>>, %arg10: memref<256x1024xf32, #tpu.memory_space<vmem>>, %arg11: memref<256xf32, #tpu.memory_space<vmem>>, %arg12: memref<32x256xf32, #tpu.memory_space<vmem>>, %arg13: memref<32xf32, #tpu.memory_space<vmem>>, %arg14: memref<1024x32xf32, #tpu.memory_space<vmem>>, %arg15: memref<1024xf32, #tpu.memory_space<vmem>>, %arg16: memref<1x32xf32, #tpu.memory_space<vmem>>, %arg17: memref<128x32xf32, #tpu.memory_space<vmem>>, %arg18: memref<128x32xf32, #tpu.memory_space<vmem>>, %arg19: memref<128xf32, #tpu.memory_space<vmem>>, %arg20: memref<128xf32, #tpu.memory_space<vmem>>, %arg21: memref<8x17x513xf32, #tpu.memory_space<vmem>>, %arg22: memref<17x64x32xf32, #tpu.memory_space<vmem>>) attributes {dimension_semantics = [#tpu.dimension_semantics<arbitrary>], iteration_bounds = array<i64: 8>, scalar_prefetch = 0 : i64, scratch_operands = 1 : i64, tpu.core_type = #tpu.core_type<tc>, window_params = [{pipeline_mode = #tpu.pipeline_mode<synchronous>, transform_indices = @transform_0, window_bounds = array<i64: 64, 1024>}, {pipeline_mode = #tpu.pipeline_mode<synchronous>, transform_indices = @transform_1, window_bounds = array<i64: 64, 259>}, {transform_indices = @transform_2, window_bounds = array<i64: 8, 512, 256>}, {pipeline_mode = #tpu.pipeline_mode<synchronous>, transform_indices = @transform_3, window_bounds = array<i64: 64, 16>}, {pipeline_mode = #tpu.pipeline_mode<synchronous>, transform_indices = @transform_4, window_bounds = array<i64: 1024, 256>}, {pipeline_mode = #tpu.pipeline_mode<synchronous>, transform_indices = @transform_5, window_bounds = array<i64: 32, 256>}, {pipeline_mode = #tpu.pipeline_mode<synchronous>, transform_indices = @transform_6, window_bounds = array<i64: 32>}, {pipeline_mode = #tpu.pipeline_mode<synchronous>, transform_indices = @transform_7, window_bounds = array<i64: 256, 259>}, {pipeline_mode = #tpu.pipeline_mode<synchronous>, transform_indices = @transform_8, window_bounds = array<i64: 256>}, {pipeline_mode = #tpu.pipeline_mode<synchronous>, transform_indices = @transform_9, window_bounds = array<i64: 256, 1024>}, {pipeline_mode = #tpu.pipeline_mode<synchronous>, transform_indices = @transform_10, window_bounds = array<i64: 256>}, {pipeline_mode = #tpu.pipeline_mode<synchronous>, transform_indices = @transform_11, window_bounds = array<i64: 32, 256>}, {pipeline_mode = #tpu.pipeline_mode<synchronous>, transform_indices = @transform_12, window_bounds = array<i64: 32>}, {pipeline_mode = #tpu.pipeline_mode<synchronous>, transform_indices = @transform_13, window_bounds = array<i64: 1024, 32>}, {pipeline_mode = #tpu.pipeline_mode<synchronous>, transform_indices = @transform_14, window_bounds = array<i64: 1024>}, {pipeline_mode = #tpu.pipeline_mode<synchronous>, transform_indices = @transform_15, window_bounds = array<i64: 1, 32>}, {pipeline_mode = #tpu.pipeline_mode<synchronous>, transform_indices = @transform_16, window_bounds = array<i64: 128, 32>}, {pipeline_mode = #tpu.pipeline_mode<synchronous>, transform_indices = @transform_17, window_bounds = array<i64: 128, 32>}, {pipeline_mode = #tpu.pipeline_mode<synchronous>, transform_indices = @transform_18, window_bounds = array<i64: 128>}, {pipeline_mode = #tpu.pipeline_mode<synchronous>, transform_indices = @transform_19, window_bounds = array<i64: 128>}, {transform_indices = @transform_20, window_bounds = array<i64: 8, 17, 513>}]} {
    %eq3A = arith.constant 0 : i32
    %eq3A_0 = arith.cmpi eq, %arg0, %eq3A : i32
    %convert_element_type3A = arith.extui %eq3A_0 : i1 to i32
    %cond3A = arith.constant 0 : i32
    %cond3A_1 = arith.cmpi ne, %convert_element_type3A, %cond3A : i32
    scf.if %cond3A_1 {
      %get3A_49 = arith.constant 0 : index
      %get3A_50 = arith.constant 0 : index
      %get3A_51 = vector.load %arg5[%get3A_49, %get3A_50] : memref<1024x256xf32, #tpu.memory_space<vmem>>, vector<1024x256xf32>
      %get3A_52 = arith.constant 0 : index
      %get3A_53 = arith.constant 0 : index
      %get3A_54 = vector.load %arg6[%get3A_52, %get3A_53] : memref<32x256xf32, #tpu.memory_space<vmem>>, vector<32x256xf32>
      %dot_general3A_55 = arith.constant dense<0.000000e+00> : vector<1024x32xf32>
      %dot_general3A_56 = tpu.matmul %get3A_51, %get3A_54, %dot_general3A_55 {dimension_numbers = #tpu.dot_dimension_numbers<[1], [1], [0], [0], [0, 0, 1, 0], [], []>, transpose_lhs_hint = false} : vector<1024x256xf32>, vector<32x256xf32>, vector<1024x32xf32> -> vector<1024x32xf32>
      %get3A_57 = arith.constant 0 : index
      %get3A_58 = vector.load %arg7[%get3A_57] : memref<32xf32, #tpu.memory_space<vmem>>, vector<32xf32>
      %broadcast_in_dim3A_59 = vector.shape_cast %get3A_58 : vector<32xf32> to vector<1x32xf32>
      %add3A_60 = vector.broadcast %broadcast_in_dim3A_59 : vector<1x32xf32> to vector<1024x32xf32>
      %add3A_61 = arith.addf %dot_general3A_56, %add3A_60 : vector<1024x32xf32>
      %mul3A_62 = arith.constant 0.001953125 : f32
      %mul3A_63 = vector.broadcast %mul3A_62 : f32 to vector<1024x32xf32>
      %mul3A_64 = arith.mulf %add3A_61, %mul3A_63 : vector<1024x32xf32>
      %get3A_65 = arith.constant 0 : index
      %get3A_66 = arith.constant 0 : index
      %get3A_67 = vector.load %arg14[%get3A_65, %get3A_66] : memref<1024x32xf32, #tpu.memory_space<vmem>>, vector<1024x32xf32>
      %get3A_68 = arith.constant 0 : index
      %get3A_69 = arith.constant 0 : index
      %get3A_70 = vector.load %arg10[%get3A_68, %get3A_69] : memref<256x1024xf32, #tpu.memory_space<vmem>>, vector<256x1024xf32>
      %dot_general3A_71 = arith.constant dense<0.000000e+00> : vector<32x256xf32>
      %dot_general3A_72 = tpu.matmul %get3A_67, %get3A_70, %dot_general3A_71 {dimension_numbers = #tpu.dot_dimension_numbers<[0], [1], [1], [0], [0, 1, 1, 0], [], []>, transpose_lhs_hint = false} : vector<1024x32xf32>, vector<256x1024xf32>, vector<32x256xf32> -> vector<32x256xf32>
      %get3A_73 = arith.constant 0 : index
      %get3A_74 = vector.load %arg15[%get3A_73] : memref<1024xf32, #tpu.memory_space<vmem>>, vector<1024xf32>
      %reshape3A_75 = vector.shape_cast %get3A_74 : vector<1024xf32> to vector<1x1024xf32>
      %get3A_76 = arith.constant 0 : index
      %get3A_77 = arith.constant 0 : index
      %get3A_78 = vector.load %arg10[%get3A_76, %get3A_77] : memref<256x1024xf32, #tpu.memory_space<vmem>>, vector<256x1024xf32>
      %dot_general3A_79 = arith.constant dense<0.000000e+00> : vector<1x256xf32>
      %dot_general3A_80 = tpu.matmul %reshape3A_75, %get3A_78, %dot_general3A_79 {dimension_numbers = #tpu.dot_dimension_numbers<[1], [1], [0], [0], [0, 0, 1, 0], [], []>, transpose_lhs_hint = false} : vector<1x1024xf32>, vector<256x1024xf32>, vector<1x256xf32> -> vector<1x256xf32>
      %dot_general3A_81 = arith.constant dense<0.000000e+00> : vector<1024x256xf32>
      %dot_general3A_82 = tpu.matmul %mul3A_64, %dot_general3A_72, %dot_general3A_81 {dimension_numbers = #tpu.dot_dimension_numbers<[1], [0], [0], [1], [0, 0, 1, 1], [], []>, transpose_lhs_hint = false} : vector<1024x32xf32>, vector<32x256xf32>, vector<1024x256xf32> -> vector<1024x256xf32>
      %add3A_83 = vector.broadcast %dot_general3A_80 : vector<1x256xf32> to vector<1024x256xf32>
      %add3A_84 = arith.addf %dot_general3A_82, %add3A_83 : vector<1024x256xf32>
      %reshape3A_85 = vector.shape_cast %add3A_84 : vector<1024x256xf32> to vector<64x16x256xf32>
      %get3A_86 = arith.constant 0 : index
      %get3A_87 = arith.constant 0 : index
      %get3A_88 = vector.load %arg1[%get3A_86, %get3A_87] : memref<64x1024xf32, #tpu.memory_space<vmem>>, vector<64x1024xf32>
      %get3A_89 = arith.constant 0 : index
      %get3A_90 = arith.constant 0 : index
      %get3A_91 = vector.load %arg10[%get3A_89, %get3A_90] : memref<256x1024xf32, #tpu.memory_space<vmem>>, vector<256x1024xf32>
      %dot_general3A_92 = arith.constant dense<0.000000e+00> : vector<64x256xf32>
      %dot_general3A_93 = tpu.matmul %get3A_88, %get3A_91, %dot_general3A_92 {dimension_numbers = #tpu.dot_dimension_numbers<[1], [1], [0], [0], [0, 0, 1, 0], [], []>, transpose_lhs_hint = false} : vector<64x1024xf32>, vector<256x1024xf32>, vector<64x256xf32> -> vector<64x256xf32>
      %get3A_94 = arith.constant 0 : index
      %get3A_95 = vector.load %arg11[%get3A_94] : memref<256xf32, #tpu.memory_space<vmem>>, vector<256xf32>
      %broadcast_in_dim3A_96 = vector.shape_cast %get3A_95 : vector<256xf32> to vector<1x256xf32>
      %add3A_97 = vector.broadcast %broadcast_in_dim3A_96 : vector<1x256xf32> to vector<64x256xf32>
      %add3A_98 = arith.addf %dot_general3A_93, %add3A_97 : vector<64x256xf32>
      %get3A_99 = arith.constant 0 : index
      %get3A_100 = arith.constant 0 : index
      %get3A_101 = vector.load %arg2[%get3A_99, %get3A_100] : memref<64x259xf32, #tpu.memory_space<vmem>>, vector<64x259xf32>
      %get3A_102 = arith.constant 0 : index
      %get3A_103 = arith.constant 0 : index
      %get3A_104 = vector.load %arg8[%get3A_102, %get3A_103] : memref<256x259xf32, #tpu.memory_space<vmem>>, vector<256x259xf32>
      %dot_general3A_105 = arith.constant dense<0.000000e+00> : vector<64x256xf32>
      %dot_general3A_106 = tpu.matmul %get3A_101, %get3A_104, %dot_general3A_105 {dimension_numbers = #tpu.dot_dimension_numbers<[1], [1], [0], [0], [0, 0, 1, 0], [], []>, transpose_lhs_hint = false} : vector<64x259xf32>, vector<256x259xf32>, vector<64x256xf32> -> vector<64x256xf32>
      %get3A_107 = arith.constant 0 : index
      %get3A_108 = vector.load %arg9[%get3A_107] : memref<256xf32, #tpu.memory_space<vmem>>, vector<256xf32>
      %broadcast_in_dim3A_109 = vector.shape_cast %get3A_108 : vector<256xf32> to vector<1x256xf32>
      %add3A_110 = vector.broadcast %broadcast_in_dim3A_109 : vector<1x256xf32> to vector<64x256xf32>
      %add3A_111 = arith.addf %dot_general3A_106, %add3A_110 : vector<64x256xf32>
      %max3A = arith.constant 0.000000e+00 : f32
      %max3A_112 = vector.broadcast %max3A : f32 to vector<64x256xf32>
      %max3A_113 = arith.maximumf %add3A_111, %max3A_112 : vector<64x256xf32>
      %get3A_114 = arith.constant 0 : index
      %get3A_115 = arith.constant 0 : index
      %get3A_116 = vector.load %arg17[%get3A_114, %get3A_115] : memref<128x32xf32, #tpu.memory_space<vmem>>, vector<128x32xf32>
      %get3A_117 = arith.constant 0 : index
      %get3A_118 = arith.constant 0 : index
      %get3A_119 = vector.load %arg12[%get3A_117, %get3A_118] : memref<32x256xf32, #tpu.memory_space<vmem>>, vector<32x256xf32>
      %dot_general3A_120 = arith.constant dense<0.000000e+00> : vector<128x256xf32>
      %dot_general3A_121 = tpu.matmul %get3A_116, %get3A_119, %dot_general3A_120 {dimension_numbers = #tpu.dot_dimension_numbers<[1], [0], [0], [1], [0, 0, 1, 1], [], []>, transpose_lhs_hint = false} : vector<128x32xf32>, vector<32x256xf32>, vector<128x256xf32> -> vector<128x256xf32>
      %get3A_122 = arith.constant 0 : index
      %get3A_123 = vector.load %arg13[%get3A_122] : memref<32xf32, #tpu.memory_space<vmem>>, vector<32xf32>
      %reshape3A_124 = vector.shape_cast %get3A_123 : vector<32xf32> to vector<1x32xf32>
      %get3A_125 = arith.constant 0 : index
      %get3A_126 = arith.constant 0 : index
      %get3A_127 = vector.load %arg17[%get3A_125, %get3A_126] : memref<128x32xf32, #tpu.memory_space<vmem>>, vector<128x32xf32>
      %dot_general3A_128 = arith.constant dense<0.000000e+00> : vector<1x128xf32>
      %dot_general3A_129 = tpu.matmul %reshape3A_124, %get3A_127, %dot_general3A_128 {dimension_numbers = #tpu.dot_dimension_numbers<[1], [1], [0], [0], [0, 0, 1, 0], [], []>, transpose_lhs_hint = false} : vector<1x32xf32>, vector<128x32xf32>, vector<1x128xf32> -> vector<1x128xf32>
      %get3A_130 = arith.constant 0 : index
      %get3A_131 = vector.load %arg19[%get3A_130] : memref<128xf32, #tpu.memory_space<vmem>>, vector<128xf32>
      %get3A_132 = arith.constant 0 : index
      %get3A_133 = vector.load %arg20[%get3A_132] : memref<128xf32, #tpu.memory_space<vmem>>, vector<128xf32>
      %add3A_134 = arith.addf %get3A_131, %get3A_133 : vector<128xf32>
      %broadcast_in_dim3A_135 = vector.shape_cast %add3A_134 : vector<128xf32> to vector<1x128xf32>
      %add3A_136 = arith.addf %dot_general3A_129, %broadcast_in_dim3A_135 : vector<1x128xf32>
      %transpose3A = tpu.transpose %add3A_136, [1, 0] : vector<1x128xf32> -> vector<128x1xf32>
      %add3A_137 = arith.addf %add3A_98, %max3A_113 : vector<64x256xf32>
      %max3A_138 = arith.constant 0.000000e+00 : f32
      %max3A_139 = vector.broadcast %max3A_138 : f32 to vector<64x256xf32>
      %max3A_140 = arith.maximumf %add3A_137, %max3A_139 : vector<64x256xf32>
      %slice3A = vector.extract_strided_slice %reshape3A_85 {offsets = [0, 0, 0], sizes = [64, 1, 256], strides = [1, 1, 1]} : vector<64x16x256xf32> to vector<64x1x256xf32>
      %squeeze3A = vector.shape_cast %slice3A : vector<64x1x256xf32> to vector<64x256xf32>
      %add3A_141 = arith.addf %add3A_98, %squeeze3A : vector<64x256xf32>
      %add3A_142 = arith.addf %add3A_141, %max3A_113 : vector<64x256xf32>
      %max3A_143 = arith.constant 0.000000e+00 : f32
      %max3A_144 = vector.broadcast %max3A_143 : f32 to vector<64x256xf32>
      %max3A_145 = arith.maximumf %add3A_142, %max3A_144 : vector<64x256xf32>
      %slice3A_146 = vector.extract_strided_slice %reshape3A_85 {offsets = [0, 1, 0], sizes = [64, 1, 256], strides = [1, 1, 1]} : vector<64x16x256xf32> to vector<64x1x256xf32>
      %squeeze3A_147 = vector.shape_cast %slice3A_146 : vector<64x1x256xf32> to vector<64x256xf32>
      %add3A_148 = arith.addf %add3A_141, %squeeze3A_147 : vector<64x256xf32>
      %add3A_149 = arith.addf %add3A_148, %max3A_113 : vector<64x256xf32>
      %max3A_150 = arith.constant 0.000000e+00 : f32
      %max3A_151 = vector.broadcast %max3A_150 : f32 to vector<64x256xf32>
      %max3A_152 = arith.maximumf %add3A_149, %max3A_151 : vector<64x256xf32>
      %slice3A_153 = vector.extract_strided_slice %reshape3A_85 {offsets = [0, 2, 0], sizes = [64, 1, 256], strides = [1, 1, 1]} : vector<64x16x256xf32> to vector<64x1x256xf32>
      %squeeze3A_154 = vector.shape_cast %slice3A_153 : vector<64x1x256xf32> to vector<64x256xf32>
      %add3A_155 = arith.addf %add3A_148, %squeeze3A_154 : vector<64x256xf32>
      %add3A_156 = arith.addf %add3A_155, %max3A_113 : vector<64x256xf32>
      %max3A_157 = arith.constant 0.000000e+00 : f32
      %max3A_158 = vector.broadcast %max3A_157 : f32 to vector<64x256xf32>
      %max3A_159 = arith.maximumf %add3A_156, %max3A_158 : vector<64x256xf32>
      %slice3A_160 = vector.extract_strided_slice %reshape3A_85 {offsets = [0, 3, 0], sizes = [64, 1, 256], strides = [1, 1, 1]} : vector<64x16x256xf32> to vector<64x1x256xf32>
      %squeeze3A_161 = vector.shape_cast %slice3A_160 : vector<64x1x256xf32> to vector<64x256xf32>
      %add3A_162 = arith.addf %add3A_155, %squeeze3A_161 : vector<64x256xf32>
      %add3A_163 = arith.addf %add3A_162, %max3A_113 : vector<64x256xf32>
      %max3A_164 = arith.constant 0.000000e+00 : f32
      %max3A_165 = vector.broadcast %max3A_164 : f32 to vector<64x256xf32>
      %max3A_166 = arith.maximumf %add3A_163, %max3A_165 : vector<64x256xf32>
      %slice3A_167 = vector.extract_strided_slice %reshape3A_85 {offsets = [0, 4, 0], sizes = [64, 1, 256], strides = [1, 1, 1]} : vector<64x16x256xf32> to vector<64x1x256xf32>
      %squeeze3A_168 = vector.shape_cast %slice3A_167 : vector<64x1x256xf32> to vector<64x256xf32>
      %add3A_169 = arith.addf %add3A_162, %squeeze3A_168 : vector<64x256xf32>
      %add3A_170 = arith.addf %add3A_169, %max3A_113 : vector<64x256xf32>
      %max3A_171 = arith.constant 0.000000e+00 : f32
      %max3A_172 = vector.broadcast %max3A_171 : f32 to vector<64x256xf32>
      %max3A_173 = arith.maximumf %add3A_170, %max3A_172 : vector<64x256xf32>
      %slice3A_174 = vector.extract_strided_slice %reshape3A_85 {offsets = [0, 5, 0], sizes = [64, 1, 256], strides = [1, 1, 1]} : vector<64x16x256xf32> to vector<64x1x256xf32>
      %squeeze3A_175 = vector.shape_cast %slice3A_174 : vector<64x1x256xf32> to vector<64x256xf32>
      %add3A_176 = arith.addf %add3A_169, %squeeze3A_175 : vector<64x256xf32>
      %add3A_177 = arith.addf %add3A_176, %max3A_113 : vector<64x256xf32>
      %max3A_178 = arith.constant 0.000000e+00 : f32
      %max3A_179 = vector.broadcast %max3A_178 : f32 to vector<64x256xf32>
      %max3A_180 = arith.maximumf %add3A_177, %max3A_179 : vector<64x256xf32>
      %slice3A_181 = vector.extract_strided_slice %reshape3A_85 {offsets = [0, 6, 0], sizes = [64, 1, 256], strides = [1, 1, 1]} : vector<64x16x256xf32> to vector<64x1x256xf32>
      %squeeze3A_182 = vector.shape_cast %slice3A_181 : vector<64x1x256xf32> to vector<64x256xf32>
      %add3A_183 = arith.addf %add3A_176, %squeeze3A_182 : vector<64x256xf32>
      %add3A_184 = arith.addf %add3A_183, %max3A_113 : vector<64x256xf32>
      %max3A_185 = arith.constant 0.000000e+00 : f32
      %max3A_186 = vector.broadcast %max3A_185 : f32 to vector<64x256xf32>
      %max3A_187 = arith.maximumf %add3A_184, %max3A_186 : vector<64x256xf32>
      %slice3A_188 = vector.extract_strided_slice %reshape3A_85 {offsets = [0, 7, 0], sizes = [64, 1, 256], strides = [1, 1, 1]} : vector<64x16x256xf32> to vector<64x1x256xf32>
      %squeeze3A_189 = vector.shape_cast %slice3A_188 : vector<64x1x256xf32> to vector<64x256xf32>
      %add3A_190 = arith.addf %add3A_183, %squeeze3A_189 : vector<64x256xf32>
      %add3A_191 = arith.addf %add3A_190, %max3A_113 : vector<64x256xf32>
      %max3A_192 = arith.constant 0.000000e+00 : f32
      %max3A_193 = vector.broadcast %max3A_192 : f32 to vector<64x256xf32>
      %max3A_194 = arith.maximumf %add3A_191, %max3A_193 : vector<64x256xf32>
      %slice3A_195 = vector.extract_strided_slice %reshape3A_85 {offsets = [0, 8, 0], sizes = [64, 1, 256], strides = [1, 1, 1]} : vector<64x16x256xf32> to vector<64x1x256xf32>
      %squeeze3A_196 = vector.shape_cast %slice3A_195 : vector<64x1x256xf32> to vector<64x256xf32>
      %add3A_197 = arith.addf %add3A_190, %squeeze3A_196 : vector<64x256xf32>
      %add3A_198 = arith.addf %add3A_197, %max3A_113 : vector<64x256xf32>
      %max3A_199 = arith.constant 0.000000e+00 : f32
      %max3A_200 = vector.broadcast %max3A_199 : f32 to vector<64x256xf32>
      %max3A_201 = arith.maximumf %add3A_198, %max3A_200 : vector<64x256xf32>
      %slice3A_202 = vector.extract_strided_slice %reshape3A_85 {offsets = [0, 9, 0], sizes = [64, 1, 256], strides = [1, 1, 1]} : vector<64x16x256xf32> to vector<64x1x256xf32>
      %squeeze3A_203 = vector.shape_cast %slice3A_202 : vector<64x1x256xf32> to vector<64x256xf32>
      %add3A_204 = arith.addf %add3A_197, %squeeze3A_203 : vector<64x256xf32>
      %add3A_205 = arith.addf %add3A_204, %max3A_113 : vector<64x256xf32>
      %max3A_206 = arith.constant 0.000000e+00 : f32
      %max3A_207 = vector.broadcast %max3A_206 : f32 to vector<64x256xf32>
      %max3A_208 = arith.maximumf %add3A_205, %max3A_207 : vector<64x256xf32>
      %slice3A_209 = vector.extract_strided_slice %reshape3A_85 {offsets = [0, 10, 0], sizes = [64, 1, 256], strides = [1, 1, 1]} : vector<64x16x256xf32> to vector<64x1x256xf32>
      %squeeze3A_210 = vector.shape_cast %slice3A_209 : vector<64x1x256xf32> to vector<64x256xf32>
      %add3A_211 = arith.addf %add3A_204, %squeeze3A_210 : vector<64x256xf32>
      %add3A_212 = arith.addf %add3A_211, %max3A_113 : vector<64x256xf32>
      %max3A_213 = arith.constant 0.000000e+00 : f32
      %max3A_214 = vector.broadcast %max3A_213 : f32 to vector<64x256xf32>
      %max3A_215 = arith.maximumf %add3A_212, %max3A_214 : vector<64x256xf32>
      %slice3A_216 = vector.extract_strided_slice %reshape3A_85 {offsets = [0, 11, 0], sizes = [64, 1, 256], strides = [1, 1, 1]} : vector<64x16x256xf32> to vector<64x1x256xf32>
      %squeeze3A_217 = vector.shape_cast %slice3A_216 : vector<64x1x256xf32> to vector<64x256xf32>
      %add3A_218 = arith.addf %add3A_211, %squeeze3A_217 : vector<64x256xf32>
      %add3A_219 = arith.addf %add3A_218, %max3A_113 : vector<64x256xf32>
      %max3A_220 = arith.constant 0.000000e+00 : f32
      %max3A_221 = vector.broadcast %max3A_220 : f32 to vector<64x256xf32>
      %max3A_222 = arith.maximumf %add3A_219, %max3A_221 : vector<64x256xf32>
      %slice3A_223 = vector.extract_strided_slice %reshape3A_85 {offsets = [0, 12, 0], sizes = [64, 1, 256], strides = [1, 1, 1]} : vector<64x16x256xf32> to vector<64x1x256xf32>
      %squeeze3A_224 = vector.shape_cast %slice3A_223 : vector<64x1x256xf32> to vector<64x256xf32>
      %add3A_225 = arith.addf %add3A_218, %squeeze3A_224 : vector<64x256xf32>
      %add3A_226 = arith.addf %add3A_225, %max3A_113 : vector<64x256xf32>
      %max3A_227 = arith.constant 0.000000e+00 : f32
      %max3A_228 = vector.broadcast %max3A_227 : f32 to vector<64x256xf32>
      %max3A_229 = arith.maximumf %add3A_226, %max3A_228 : vector<64x256xf32>
      %slice3A_230 = vector.extract_strided_slice %reshape3A_85 {offsets = [0, 13, 0], sizes = [64, 1, 256], strides = [1, 1, 1]} : vector<64x16x256xf32> to vector<64x1x256xf32>
      %squeeze3A_231 = vector.shape_cast %slice3A_230 : vector<64x1x256xf32> to vector<64x256xf32>
      %add3A_232 = arith.addf %add3A_225, %squeeze3A_231 : vector<64x256xf32>
      %add3A_233 = arith.addf %add3A_232, %max3A_113 : vector<64x256xf32>
      %max3A_234 = arith.constant 0.000000e+00 : f32
      %max3A_235 = vector.broadcast %max3A_234 : f32 to vector<64x256xf32>
      %max3A_236 = arith.maximumf %add3A_233, %max3A_235 : vector<64x256xf32>
      %slice3A_237 = vector.extract_strided_slice %reshape3A_85 {offsets = [0, 14, 0], sizes = [64, 1, 256], strides = [1, 1, 1]} : vector<64x16x256xf32> to vector<64x1x256xf32>
      %squeeze3A_238 = vector.shape_cast %slice3A_237 : vector<64x1x256xf32> to vector<64x256xf32>
      %add3A_239 = arith.addf %add3A_232, %squeeze3A_238 : vector<64x256xf32>
      %add3A_240 = arith.addf %add3A_239, %max3A_113 : vector<64x256xf32>
      %max3A_241 = arith.constant 0.000000e+00 : f32
      %max3A_242 = vector.broadcast %max3A_241 : f32 to vector<64x256xf32>
      %max3A_243 = arith.maximumf %add3A_240, %max3A_242 : vector<64x256xf32>
      %slice3A_244 = vector.extract_strided_slice %reshape3A_85 {offsets = [0, 15, 0], sizes = [64, 1, 256], strides = [1, 1, 1]} : vector<64x16x256xf32> to vector<64x1x256xf32>
      %squeeze3A_245 = vector.shape_cast %slice3A_244 : vector<64x1x256xf32> to vector<64x256xf32>
      %add3A_246 = arith.addf %add3A_239, %squeeze3A_245 : vector<64x256xf32>
      %add3A_247 = arith.addf %add3A_246, %max3A_113 : vector<64x256xf32>
      %max3A_248 = arith.constant 0.000000e+00 : f32
      %max3A_249 = vector.broadcast %max3A_248 : f32 to vector<64x256xf32>
      %max3A_250 = arith.maximumf %add3A_247, %max3A_249 : vector<64x256xf32>
      %dot_general3A_251 = arith.constant dense<0.000000e+00> : vector<128x64xf32>
      %dot_general3A_252 = tpu.matmul %dot_general3A_121, %max3A_140, %dot_general3A_251 {dimension_numbers = #tpu.dot_dimension_numbers<[1], [1], [0], [0], [0, 0, 1, 0], [], []>, transpose_lhs_hint = false} : vector<128x256xf32>, vector<64x256xf32>, vector<128x64xf32> -> vector<128x64xf32>
      %add3A_253 = vector.broadcast %transpose3A : vector<128x1xf32> to vector<128x64xf32>
      %add3A_254 = arith.addf %dot_general3A_252, %add3A_253 : vector<128x64xf32>
      %dot_general3A_255 = arith.constant dense<0.000000e+00> : vector<128x64xf32>
      %dot_general3A_256 = tpu.matmul %dot_general3A_121, %max3A_145, %dot_general3A_255 {dimension_numbers = #tpu.dot_dimension_numbers<[1], [1], [0], [0], [0, 0, 1, 0], [], []>, transpose_lhs_hint = false} : vector<128x256xf32>, vector<64x256xf32>, vector<128x64xf32> -> vector<128x64xf32>
      %add3A_257 = vector.broadcast %transpose3A : vector<128x1xf32> to vector<128x64xf32>
      %add3A_258 = arith.addf %dot_general3A_256, %add3A_257 : vector<128x64xf32>
      %dot_general3A_259 = arith.constant dense<0.000000e+00> : vector<128x64xf32>
      %dot_general3A_260 = tpu.matmul %dot_general3A_121, %max3A_152, %dot_general3A_259 {dimension_numbers = #tpu.dot_dimension_numbers<[1], [1], [0], [0], [0, 0, 1, 0], [], []>, transpose_lhs_hint = false} : vector<128x256xf32>, vector<64x256xf32>, vector<128x64xf32> -> vector<128x64xf32>
      %add3A_261 = vector.broadcast %transpose3A : vector<128x1xf32> to vector<128x64xf32>
      %add3A_262 = arith.addf %dot_general3A_260, %add3A_261 : vector<128x64xf32>
      %dot_general3A_263 = arith.constant dense<0.000000e+00> : vector<128x64xf32>
      %dot_general3A_264 = tpu.matmul %dot_general3A_121, %max3A_159, %dot_general3A_263 {dimension_numbers = #tpu.dot_dimension_numbers<[1], [1], [0], [0], [0, 0, 1, 0], [], []>, transpose_lhs_hint = false} : vector<128x256xf32>, vector<64x256xf32>, vector<128x64xf32> -> vector<128x64xf32>
      %add3A_265 = vector.broadcast %transpose3A : vector<128x1xf32> to vector<128x64xf32>
      %add3A_266 = arith.addf %dot_general3A_264, %add3A_265 : vector<128x64xf32>
      %dot_general3A_267 = arith.constant dense<0.000000e+00> : vector<128x64xf32>
      %dot_general3A_268 = tpu.matmul %dot_general3A_121, %max3A_166, %dot_general3A_267 {dimension_numbers = #tpu.dot_dimension_numbers<[1], [1], [0], [0], [0, 0, 1, 0], [], []>, transpose_lhs_hint = false} : vector<128x256xf32>, vector<64x256xf32>, vector<128x64xf32> -> vector<128x64xf32>
      %add3A_269 = vector.broadcast %transpose3A : vector<128x1xf32> to vector<128x64xf32>
      %add3A_270 = arith.addf %dot_general3A_268, %add3A_269 : vector<128x64xf32>
      %dot_general3A_271 = arith.constant dense<0.000000e+00> : vector<128x64xf32>
      %dot_general3A_272 = tpu.matmul %dot_general3A_121, %max3A_173, %dot_general3A_271 {dimension_numbers = #tpu.dot_dimension_numbers<[1], [1], [0], [0], [0, 0, 1, 0], [], []>, transpose_lhs_hint = false} : vector<128x256xf32>, vector<64x256xf32>, vector<128x64xf32> -> vector<128x64xf32>
      %add3A_273 = vector.broadcast %transpose3A : vector<128x1xf32> to vector<128x64xf32>
      %add3A_274 = arith.addf %dot_general3A_272, %add3A_273 : vector<128x64xf32>
      %dot_general3A_275 = arith.constant dense<0.000000e+00> : vector<128x64xf32>
      %dot_general3A_276 = tpu.matmul %dot_general3A_121, %max3A_180, %dot_general3A_275 {dimension_numbers = #tpu.dot_dimension_numbers<[1], [1], [0], [0], [0, 0, 1, 0], [], []>, transpose_lhs_hint = false} : vector<128x256xf32>, vector<64x256xf32>, vector<128x64xf32> -> vector<128x64xf32>
      %add3A_277 = vector.broadcast %transpose3A : vector<128x1xf32> to vector<128x64xf32>
      %add3A_278 = arith.addf %dot_general3A_276, %add3A_277 : vector<128x64xf32>
      %dot_general3A_279 = arith.constant dense<0.000000e+00> : vector<128x64xf32>
      %dot_general3A_280 = tpu.matmul %dot_general3A_121, %max3A_187, %dot_general3A_279 {dimension_numbers = #tpu.dot_dimension_numbers<[1], [1], [0], [0], [0, 0, 1, 0], [], []>, transpose_lhs_hint = false} : vector<128x256xf32>, vector<64x256xf32>, vector<128x64xf32> -> vector<128x64xf32>
      %add3A_281 = vector.broadcast %transpose3A : vector<128x1xf32> to vector<128x64xf32>
      %add3A_282 = arith.addf %dot_general3A_280, %add3A_281 : vector<128x64xf32>
      %dot_general3A_283 = arith.constant dense<0.000000e+00> : vector<128x64xf32>
      %dot_general3A_284 = tpu.matmul %dot_general3A_121, %max3A_194, %dot_general3A_283 {dimension_numbers = #tpu.dot_dimension_numbers<[1], [1], [0], [0], [0, 0, 1, 0], [], []>, transpose_lhs_hint = false} : vector<128x256xf32>, vector<64x256xf32>, vector<128x64xf32> -> vector<128x64xf32>
      %add3A_285 = vector.broadcast %transpose3A : vector<128x1xf32> to vector<128x64xf32>
      %add3A_286 = arith.addf %dot_general3A_284, %add3A_285 : vector<128x64xf32>
      %dot_general3A_287 = arith.constant dense<0.000000e+00> : vector<128x64xf32>
      %dot_general3A_288 = tpu.matmul %dot_general3A_121, %max3A_201, %dot_general3A_287 {dimension_numbers = #tpu.dot_dimension_numbers<[1], [1], [0], [0], [0, 0, 1, 0], [], []>, transpose_lhs_hint = false} : vector<128x256xf32>, vector<64x256xf32>, vector<128x64xf32> -> vector<128x64xf32>
      %add3A_289 = vector.broadcast %transpose3A : vector<128x1xf32> to vector<128x64xf32>
      %add3A_290 = arith.addf %dot_general3A_288, %add3A_289 : vector<128x64xf32>
      %dot_general3A_291 = arith.constant dense<0.000000e+00> : vector<128x64xf32>
      %dot_general3A_292 = tpu.matmul %dot_general3A_121, %max3A_208, %dot_general3A_291 {dimension_numbers = #tpu.dot_dimension_numbers<[1], [1], [0], [0], [0, 0, 1, 0], [], []>, transpose_lhs_hint = false} : vector<128x256xf32>, vector<64x256xf32>, vector<128x64xf32> -> vector<128x64xf32>
      %add3A_293 = vector.broadcast %transpose3A : vector<128x1xf32> to vector<128x64xf32>
      %add3A_294 = arith.addf %dot_general3A_292, %add3A_293 : vector<128x64xf32>
      %dot_general3A_295 = arith.constant dense<0.000000e+00> : vector<128x64xf32>
      %dot_general3A_296 = tpu.matmul %dot_general3A_121, %max3A_215, %dot_general3A_295 {dimension_numbers = #tpu.dot_dimension_numbers<[1], [1], [0], [0], [0, 0, 1, 0], [], []>, transpose_lhs_hint = false} : vector<128x256xf32>, vector<64x256xf32>, vector<128x64xf32> -> vector<128x64xf32>
      %add3A_297 = vector.broadcast %transpose3A : vector<128x1xf32> to vector<128x64xf32>
      %add3A_298 = arith.addf %dot_general3A_296, %add3A_297 : vector<128x64xf32>
      %dot_general3A_299 = arith.constant dense<0.000000e+00> : vector<128x64xf32>
      %dot_general3A_300 = tpu.matmul %dot_general3A_121, %max3A_222, %dot_general3A_299 {dimension_numbers = #tpu.dot_dimension_numbers<[1], [1], [0], [0], [0, 0, 1, 0], [], []>, transpose_lhs_hint = false} : vector<128x256xf32>, vector<64x256xf32>, vector<128x64xf32> -> vector<128x64xf32>
      %add3A_301 = vector.broadcast %transpose3A : vector<128x1xf32> to vector<128x64xf32>
      %add3A_302 = arith.addf %dot_general3A_300, %add3A_301 : vector<128x64xf32>
      %dot_general3A_303 = arith.constant dense<0.000000e+00> : vector<128x64xf32>
      %dot_general3A_304 = tpu.matmul %dot_general3A_121, %max3A_229, %dot_general3A_303 {dimension_numbers = #tpu.dot_dimension_numbers<[1], [1], [0], [0], [0, 0, 1, 0], [], []>, transpose_lhs_hint = false} : vector<128x256xf32>, vector<64x256xf32>, vector<128x64xf32> -> vector<128x64xf32>
      %add3A_305 = vector.broadcast %transpose3A : vector<128x1xf32> to vector<128x64xf32>
      %add3A_306 = arith.addf %dot_general3A_304, %add3A_305 : vector<128x64xf32>
      %dot_general3A_307 = arith.constant dense<0.000000e+00> : vector<128x64xf32>
      %dot_general3A_308 = tpu.matmul %dot_general3A_121, %max3A_236, %dot_general3A_307 {dimension_numbers = #tpu.dot_dimension_numbers<[1], [1], [0], [0], [0, 0, 1, 0], [], []>, transpose_lhs_hint = false} : vector<128x256xf32>, vector<64x256xf32>, vector<128x64xf32> -> vector<128x64xf32>
      %add3A_309 = vector.broadcast %transpose3A : vector<128x1xf32> to vector<128x64xf32>
      %add3A_310 = arith.addf %dot_general3A_308, %add3A_309 : vector<128x64xf32>
      %dot_general3A_311 = arith.constant dense<0.000000e+00> : vector<128x64xf32>
      %dot_general3A_312 = tpu.matmul %dot_general3A_121, %max3A_243, %dot_general3A_311 {dimension_numbers = #tpu.dot_dimension_numbers<[1], [1], [0], [0], [0, 0, 1, 0], [], []>, transpose_lhs_hint = false} : vector<128x256xf32>, vector<64x256xf32>, vector<128x64xf32> -> vector<128x64xf32>
      %add3A_313 = vector.broadcast %transpose3A : vector<128x1xf32> to vector<128x64xf32>
      %add3A_314 = arith.addf %dot_general3A_312, %add3A_313 : vector<128x64xf32>
      %dot_general3A_315 = arith.constant dense<0.000000e+00> : vector<128x64xf32>
      %dot_general3A_316 = tpu.matmul %dot_general3A_121, %max3A_250, %dot_general3A_315 {dimension_numbers = #tpu.dot_dimension_numbers<[1], [1], [0], [0], [0, 0, 1, 0], [], []>, transpose_lhs_hint = false} : vector<128x256xf32>, vector<64x256xf32>, vector<128x64xf32> -> vector<128x64xf32>
      %add3A_317 = vector.broadcast %transpose3A : vector<128x1xf32> to vector<128x64xf32>
      %add3A_318 = arith.addf %dot_general3A_316, %add3A_317 : vector<128x64xf32>
      %broadcast_in_dim3A_319 = arith.constant 0.000000e+00 : f32
      %broadcast_in_dim3A_320 = vector.broadcast %broadcast_in_dim3A_319 : f32 to vector<32x64xf32>
      %broadcast_in_dim3A_321 = arith.constant 0.000000e+00 : f32
      %broadcast_in_dim3A_322 = vector.broadcast %broadcast_in_dim3A_321 : f32 to vector<32x64xf32>
      %get3A_323 = arith.constant 0 : index
      %get3A_324 = arith.constant 0 : index
      %get3A_325 = vector.load %arg18[%get3A_323, %get3A_324] : memref<128x32xf32, #tpu.memory_space<vmem>>, vector<128x32xf32>
      %dot_general3A_326 = arith.constant dense<0.000000e+00> : vector<128x64xf32>
      %dot_general3A_327 = tpu.matmul %get3A_325, %broadcast_in_dim3A_320, %dot_general3A_326 {dimension_numbers = #tpu.dot_dimension_numbers<[1], [0], [0], [1], [0, 0, 1, 1], [], []>, transpose_lhs_hint = false} : vector<128x32xf32>, vector<32x64xf32>, vector<128x64xf32> -> vector<128x64xf32>
      %add3A_328 = arith.addf %add3A_254, %dot_general3A_327 : vector<128x64xf32>
      %slice3A_329 = vector.extract_strided_slice %add3A_328 {offsets = [0, 0], sizes = [32, 64], strides = [1, 1]} : vector<128x64xf32> to vector<32x64xf32>
      %slice3A_330 = vector.extract_strided_slice %add3A_328 {offsets = [32, 0], sizes = [32, 64], strides = [1, 1]} : vector<128x64xf32> to vector<32x64xf32>
      %slice3A_331 = vector.extract_strided_slice %add3A_328 {offsets = [64, 0], sizes = [32, 64], strides = [1, 1]} : vector<128x64xf32> to vector<32x64xf32>
      %slice3A_332 = vector.extract_strided_slice %add3A_328 {offsets = [96, 0], sizes = [32, 64], strides = [1, 1]} : vector<128x64xf32> to vector<32x64xf32>
      %logistic3A = arith.negf %slice3A_330 : vector<32x64xf32>
      %logistic3A_333 = math.exp %logistic3A : vector<32x64xf32>
      %logistic3A_334 = arith.constant 1.000000e+00 : f32
      %logistic3A_335 = vector.broadcast %logistic3A_334 : f32 to vector<32x64xf32>
      %logistic3A_336 = arith.addf %logistic3A_335, %logistic3A_333 : vector<32x64xf32>
      %logistic3A_337 = arith.divf %logistic3A_335, %logistic3A_336 : vector<32x64xf32>
      %mul3A_338 = arith.mulf %logistic3A_337, %broadcast_in_dim3A_322 : vector<32x64xf32>
      %logistic3A_339 = arith.negf %slice3A_329 : vector<32x64xf32>
      %logistic3A_340 = math.exp %logistic3A_339 : vector<32x64xf32>
      %logistic3A_341 = arith.constant 1.000000e+00 : f32
      %logistic3A_342 = vector.broadcast %logistic3A_341 : f32 to vector<32x64xf32>
      %logistic3A_343 = arith.addf %logistic3A_342, %logistic3A_340 : vector<32x64xf32>
      %logistic3A_344 = arith.divf %logistic3A_342, %logistic3A_343 : vector<32x64xf32>
      %tanh3A = math.tanh %slice3A_331 : vector<32x64xf32>
      %mul3A_345 = arith.mulf %logistic3A_344, %tanh3A : vector<32x64xf32>
      %add3A_346 = arith.addf %mul3A_338, %mul3A_345 : vector<32x64xf32>
      %logistic3A_347 = arith.negf %slice3A_332 : vector<32x64xf32>
      %logistic3A_348 = math.exp %logistic3A_347 : vector<32x64xf32>
      %logistic3A_349 = arith.constant 1.000000e+00 : f32
      %logistic3A_350 = vector.broadcast %logistic3A_349 : f32 to vector<32x64xf32>
      %logistic3A_351 = arith.addf %logistic3A_350, %logistic3A_348 : vector<32x64xf32>
      %logistic3A_352 = arith.divf %logistic3A_350, %logistic3A_351 : vector<32x64xf32>
      %tanh3A_353 = math.tanh %add3A_346 : vector<32x64xf32>
      %mul3A_354 = arith.mulf %logistic3A_352, %tanh3A_353 : vector<32x64xf32>
      %transpose3A_355 = tpu.transpose %mul3A_354, [1, 0] : vector<32x64xf32> -> vector<64x32xf32>
      %get3A_356 = arith.constant 0 : index
      %get3A_357 = arith.constant 0 : index
      %get3A_358 = vector.load %arg18[%get3A_356, %get3A_357] : memref<128x32xf32, #tpu.memory_space<vmem>>, vector<128x32xf32>
      %dot_general3A_359 = arith.constant dense<0.000000e+00> : vector<128x64xf32>
      %dot_general3A_360 = tpu.matmul %get3A_358, %mul3A_354, %dot_general3A_359 {dimension_numbers = #tpu.dot_dimension_numbers<[1], [0], [0], [1], [0, 0, 1, 1], [], []>, transpose_lhs_hint = false} : vector<128x32xf32>, vector<32x64xf32>, vector<128x64xf32> -> vector<128x64xf32>
      %add3A_361 = arith.addf %add3A_258, %dot_general3A_360 : vector<128x64xf32>
      %slice3A_362 = vector.extract_strided_slice %add3A_361 {offsets = [0, 0], sizes = [32, 64], strides = [1, 1]} : vector<128x64xf32> to vector<32x64xf32>
      %slice3A_363 = vector.extract_strided_slice %add3A_361 {offsets = [32, 0], sizes = [32, 64], strides = [1, 1]} : vector<128x64xf32> to vector<32x64xf32>
      %slice3A_364 = vector.extract_strided_slice %add3A_361 {offsets = [64, 0], sizes = [32, 64], strides = [1, 1]} : vector<128x64xf32> to vector<32x64xf32>
      %slice3A_365 = vector.extract_strided_slice %add3A_361 {offsets = [96, 0], sizes = [32, 64], strides = [1, 1]} : vector<128x64xf32> to vector<32x64xf32>
      %logistic3A_366 = arith.negf %slice3A_363 : vector<32x64xf32>
      %logistic3A_367 = math.exp %logistic3A_366 : vector<32x64xf32>
      %logistic3A_368 = arith.constant 1.000000e+00 : f32
      %logistic3A_369 = vector.broadcast %logistic3A_368 : f32 to vector<32x64xf32>
      %logistic3A_370 = arith.addf %logistic3A_369, %logistic3A_367 : vector<32x64xf32>
      %logistic3A_371 = arith.divf %logistic3A_369, %logistic3A_370 : vector<32x64xf32>
      %mul3A_372 = arith.mulf %logistic3A_371, %add3A_346 : vector<32x64xf32>
      %logistic3A_373 = arith.negf %slice3A_362 : vector<32x64xf32>
      %logistic3A_374 = math.exp %logistic3A_373 : vector<32x64xf32>
      %logistic3A_375 = arith.constant 1.000000e+00 : f32
      %logistic3A_376 = vector.broadcast %logistic3A_375 : f32 to vector<32x64xf32>
      %logistic3A_377 = arith.addf %logistic3A_376, %logistic3A_374 : vector<32x64xf32>
      %logistic3A_378 = arith.divf %logistic3A_376, %logistic3A_377 : vector<32x64xf32>
      %tanh3A_379 = math.tanh %slice3A_364 : vector<32x64xf32>
      %mul3A_380 = arith.mulf %logistic3A_378, %tanh3A_379 : vector<32x64xf32>
      %add3A_381 = arith.addf %mul3A_372, %mul3A_380 : vector<32x64xf32>
      %logistic3A_382 = arith.negf %slice3A_365 : vector<32x64xf32>
      %logistic3A_383 = math.exp %logistic3A_382 : vector<32x64xf32>
      %logistic3A_384 = arith.constant 1.000000e+00 : f32
      %logistic3A_385 = vector.broadcast %logistic3A_384 : f32 to vector<32x64xf32>
      %logistic3A_386 = arith.addf %logistic3A_385, %logistic3A_383 : vector<32x64xf32>
      %logistic3A_387 = arith.divf %logistic3A_385, %logistic3A_386 : vector<32x64xf32>
      %tanh3A_388 = math.tanh %add3A_381 : vector<32x64xf32>
      %mul3A_389 = arith.mulf %logistic3A_387, %tanh3A_388 : vector<32x64xf32>
      %transpose3A_390 = tpu.transpose %mul3A_389, [1, 0] : vector<32x64xf32> -> vector<64x32xf32>
      %get3A_391 = arith.constant 0 : index
      %get3A_392 = arith.constant 0 : index
      %get3A_393 = vector.load %arg18[%get3A_391, %get3A_392] : memref<128x32xf32, #tpu.memory_space<vmem>>, vector<128x32xf32>
      %dot_general3A_394 = arith.constant dense<0.000000e+00> : vector<128x64xf32>
      %dot_general3A_395 = tpu.matmul %get3A_393, %mul3A_389, %dot_general3A_394 {dimension_numbers = #tpu.dot_dimension_numbers<[1], [0], [0], [1], [0, 0, 1, 1], [], []>, transpose_lhs_hint = false} : vector<128x32xf32>, vector<32x64xf32>, vector<128x64xf32> -> vector<128x64xf32>
      %add3A_396 = arith.addf %add3A_262, %dot_general3A_395 : vector<128x64xf32>
      %slice3A_397 = vector.extract_strided_slice %add3A_396 {offsets = [0, 0], sizes = [32, 64], strides = [1, 1]} : vector<128x64xf32> to vector<32x64xf32>
      %slice3A_398 = vector.extract_strided_slice %add3A_396 {offsets = [32, 0], sizes = [32, 64], strides = [1, 1]} : vector<128x64xf32> to vector<32x64xf32>
      %slice3A_399 = vector.extract_strided_slice %add3A_396 {offsets = [64, 0], sizes = [32, 64], strides = [1, 1]} : vector<128x64xf32> to vector<32x64xf32>
      %slice3A_400 = vector.extract_strided_slice %add3A_396 {offsets = [96, 0], sizes = [32, 64], strides = [1, 1]} : vector<128x64xf32> to vector<32x64xf32>
      %logistic3A_401 = arith.negf %slice3A_398 : vector<32x64xf32>
      %logistic3A_402 = math.exp %logistic3A_401 : vector<32x64xf32>
      %logistic3A_403 = arith.constant 1.000000e+00 : f32
      %logistic3A_404 = vector.broadcast %logistic3A_403 : f32 to vector<32x64xf32>
      %logistic3A_405 = arith.addf %logistic3A_404, %logistic3A_402 : vector<32x64xf32>
      %logistic3A_406 = arith.divf %logistic3A_404, %logistic3A_405 : vector<32x64xf32>
      %mul3A_407 = arith.mulf %logistic3A_406, %add3A_381 : vector<32x64xf32>
      %logistic3A_408 = arith.negf %slice3A_397 : vector<32x64xf32>
      %logistic3A_409 = math.exp %logistic3A_408 : vector<32x64xf32>
      %logistic3A_410 = arith.constant 1.000000e+00 : f32
      %logistic3A_411 = vector.broadcast %logistic3A_410 : f32 to vector<32x64xf32>
      %logistic3A_412 = arith.addf %logistic3A_411, %logistic3A_409 : vector<32x64xf32>
      %logistic3A_413 = arith.divf %logistic3A_411, %logistic3A_412 : vector<32x64xf32>
      %tanh3A_414 = math.tanh %slice3A_399 : vector<32x64xf32>
      %mul3A_415 = arith.mulf %logistic3A_413, %tanh3A_414 : vector<32x64xf32>
      %add3A_416 = arith.addf %mul3A_407, %mul3A_415 : vector<32x64xf32>
      %logistic3A_417 = arith.negf %slice3A_400 : vector<32x64xf32>
      %logistic3A_418 = math.exp %logistic3A_417 : vector<32x64xf32>
      %logistic3A_419 = arith.constant 1.000000e+00 : f32
      %logistic3A_420 = vector.broadcast %logistic3A_419 : f32 to vector<32x64xf32>
      %logistic3A_421 = arith.addf %logistic3A_420, %logistic3A_418 : vector<32x64xf32>
      %logistic3A_422 = arith.divf %logistic3A_420, %logistic3A_421 : vector<32x64xf32>
      %tanh3A_423 = math.tanh %add3A_416 : vector<32x64xf32>
      %mul3A_424 = arith.mulf %logistic3A_422, %tanh3A_423 : vector<32x64xf32>
      %transpose3A_425 = tpu.transpose %mul3A_424, [1, 0] : vector<32x64xf32> -> vector<64x32xf32>
      %get3A_426 = arith.constant 0 : index
      %get3A_427 = arith.constant 0 : index
      %get3A_428 = vector.load %arg18[%get3A_426, %get3A_427] : memref<128x32xf32, #tpu.memory_space<vmem>>, vector<128x32xf32>
      %dot_general3A_429 = arith.constant dense<0.000000e+00> : vector<128x64xf32>
      %dot_general3A_430 = tpu.matmul %get3A_428, %mul3A_424, %dot_general3A_429 {dimension_numbers = #tpu.dot_dimension_numbers<[1], [0], [0], [1], [0, 0, 1, 1], [], []>, transpose_lhs_hint = false} : vector<128x32xf32>, vector<32x64xf32>, vector<128x64xf32> -> vector<128x64xf32>
      %add3A_431 = arith.addf %add3A_266, %dot_general3A_430 : vector<128x64xf32>
      %slice3A_432 = vector.extract_strided_slice %add3A_431 {offsets = [0, 0], sizes = [32, 64], strides = [1, 1]} : vector<128x64xf32> to vector<32x64xf32>
      %slice3A_433 = vector.extract_strided_slice %add3A_431 {offsets = [32, 0], sizes = [32, 64], strides = [1, 1]} : vector<128x64xf32> to vector<32x64xf32>
      %slice3A_434 = vector.extract_strided_slice %add3A_431 {offsets = [64, 0], sizes = [32, 64], strides = [1, 1]} : vector<128x64xf32> to vector<32x64xf32>
      %slice3A_435 = vector.extract_strided_slice %add3A_431 {offsets = [96, 0], sizes = [32, 64], strides = [1, 1]} : vector<128x64xf32> to vector<32x64xf32>
      %logistic3A_436 = arith.negf %slice3A_433 : vector<32x64xf32>
      %logistic3A_437 = math.exp %logistic3A_436 : vector<32x64xf32>
      %logistic3A_438 = arith.constant 1.000000e+00 : f32
      %logistic3A_439 = vector.broadcast %logistic3A_438 : f32 to vector<32x64xf32>
      %logistic3A_440 = arith.addf %logistic3A_439, %logistic3A_437 : vector<32x64xf32>
      %logistic3A_441 = arith.divf %logistic3A_439, %logistic3A_440 : vector<32x64xf32>
      %mul3A_442 = arith.mulf %logistic3A_441, %add3A_416 : vector<32x64xf32>
      %logistic3A_443 = arith.negf %slice3A_432 : vector<32x64xf32>
      %logistic3A_444 = math.exp %logistic3A_443 : vector<32x64xf32>
      %logistic3A_445 = arith.constant 1.000000e+00 : f32
      %logistic3A_446 = vector.broadcast %logistic3A_445 : f32 to vector<32x64xf32>
      %logistic3A_447 = arith.addf %logistic3A_446, %logistic3A_444 : vector<32x64xf32>
      %logistic3A_448 = arith.divf %logistic3A_446, %logistic3A_447 : vector<32x64xf32>
      %tanh3A_449 = math.tanh %slice3A_434 : vector<32x64xf32>
      %mul3A_450 = arith.mulf %logistic3A_448, %tanh3A_449 : vector<32x64xf32>
      %add3A_451 = arith.addf %mul3A_442, %mul3A_450 : vector<32x64xf32>
      %logistic3A_452 = arith.negf %slice3A_435 : vector<32x64xf32>
      %logistic3A_453 = math.exp %logistic3A_452 : vector<32x64xf32>
      %logistic3A_454 = arith.constant 1.000000e+00 : f32
      %logistic3A_455 = vector.broadcast %logistic3A_454 : f32 to vector<32x64xf32>
      %logistic3A_456 = arith.addf %logistic3A_455, %logistic3A_453 : vector<32x64xf32>
      %logistic3A_457 = arith.divf %logistic3A_455, %logistic3A_456 : vector<32x64xf32>
      %tanh3A_458 = math.tanh %add3A_451 : vector<32x64xf32>
      %mul3A_459 = arith.mulf %logistic3A_457, %tanh3A_458 : vector<32x64xf32>
      %transpose3A_460 = tpu.transpose %mul3A_459, [1, 0] : vector<32x64xf32> -> vector<64x32xf32>
      %get3A_461 = arith.constant 0 : index
      %get3A_462 = arith.constant 0 : index
      %get3A_463 = vector.load %arg18[%get3A_461, %get3A_462] : memref<128x32xf32, #tpu.memory_space<vmem>>, vector<128x32xf32>
      %dot_general3A_464 = arith.constant dense<0.000000e+00> : vector<128x64xf32>
      %dot_general3A_465 = tpu.matmul %get3A_463, %mul3A_459, %dot_general3A_464 {dimension_numbers = #tpu.dot_dimension_numbers<[1], [0], [0], [1], [0, 0, 1, 1], [], []>, transpose_lhs_hint = false} : vector<128x32xf32>, vector<32x64xf32>, vector<128x64xf32> -> vector<128x64xf32>
      %add3A_466 = arith.addf %add3A_270, %dot_general3A_465 : vector<128x64xf32>
      %slice3A_467 = vector.extract_strided_slice %add3A_466 {offsets = [0, 0], sizes = [32, 64], strides = [1, 1]} : vector<128x64xf32> to vector<32x64xf32>
      %slice3A_468 = vector.extract_strided_slice %add3A_466 {offsets = [32, 0], sizes = [32, 64], strides = [1, 1]} : vector<128x64xf32> to vector<32x64xf32>
      %slice3A_469 = vector.extract_strided_slice %add3A_466 {offsets = [64, 0], sizes = [32, 64], strides = [1, 1]} : vector<128x64xf32> to vector<32x64xf32>
      %slice3A_470 = vector.extract_strided_slice %add3A_466 {offsets = [96, 0], sizes = [32, 64], strides = [1, 1]} : vector<128x64xf32> to vector<32x64xf32>
      %logistic3A_471 = arith.negf %slice3A_468 : vector<32x64xf32>
      %logistic3A_472 = math.exp %logistic3A_471 : vector<32x64xf32>
      %logistic3A_473 = arith.constant 1.000000e+00 : f32
      %logistic3A_474 = vector.broadcast %logistic3A_473 : f32 to vector<32x64xf32>
      %logistic3A_475 = arith.addf %logistic3A_474, %logistic3A_472 : vector<32x64xf32>
      %logistic3A_476 = arith.divf %logistic3A_474, %logistic3A_475 : vector<32x64xf32>
      %mul3A_477 = arith.mulf %logistic3A_476, %add3A_451 : vector<32x64xf32>
      %logistic3A_478 = arith.negf %slice3A_467 : vector<32x64xf32>
      %logistic3A_479 = math.exp %logistic3A_478 : vector<32x64xf32>
      %logistic3A_480 = arith.constant 1.000000e+00 : f32
      %logistic3A_481 = vector.broadcast %logistic3A_480 : f32 to vector<32x64xf32>
      %logistic3A_482 = arith.addf %logistic3A_481, %logistic3A_479 : vector<32x64xf32>
      %logistic3A_483 = arith.divf %logistic3A_481, %logistic3A_482 : vector<32x64xf32>
      %tanh3A_484 = math.tanh %slice3A_469 : vector<32x64xf32>
      %mul3A_485 = arith.mulf %logistic3A_483, %tanh3A_484 : vector<32x64xf32>
      %add3A_486 = arith.addf %mul3A_477, %mul3A_485 : vector<32x64xf32>
      %logistic3A_487 = arith.negf %slice3A_470 : vector<32x64xf32>
      %logistic3A_488 = math.exp %logistic3A_487 : vector<32x64xf32>
      %logistic3A_489 = arith.constant 1.000000e+00 : f32
      %logistic3A_490 = vector.broadcast %logistic3A_489 : f32 to vector<32x64xf32>
      %logistic3A_491 = arith.addf %logistic3A_490, %logistic3A_488 : vector<32x64xf32>
      %logistic3A_492 = arith.divf %logistic3A_490, %logistic3A_491 : vector<32x64xf32>
      %tanh3A_493 = math.tanh %add3A_486 : vector<32x64xf32>
      %mul3A_494 = arith.mulf %logistic3A_492, %tanh3A_493 : vector<32x64xf32>
      %transpose3A_495 = tpu.transpose %mul3A_494, [1, 0] : vector<32x64xf32> -> vector<64x32xf32>
      %get3A_496 = arith.constant 0 : index
      %get3A_497 = arith.constant 0 : index
      %get3A_498 = vector.load %arg18[%get3A_496, %get3A_497] : memref<128x32xf32, #tpu.memory_space<vmem>>, vector<128x32xf32>
      %dot_general3A_499 = arith.constant dense<0.000000e+00> : vector<128x64xf32>
      %dot_general3A_500 = tpu.matmul %get3A_498, %mul3A_494, %dot_general3A_499 {dimension_numbers = #tpu.dot_dimension_numbers<[1], [0], [0], [1], [0, 0, 1, 1], [], []>, transpose_lhs_hint = false} : vector<128x32xf32>, vector<32x64xf32>, vector<128x64xf32> -> vector<128x64xf32>
      %add3A_501 = arith.addf %add3A_274, %dot_general3A_500 : vector<128x64xf32>
      %slice3A_502 = vector.extract_strided_slice %add3A_501 {offsets = [0, 0], sizes = [32, 64], strides = [1, 1]} : vector<128x64xf32> to vector<32x64xf32>
      %slice3A_503 = vector.extract_strided_slice %add3A_501 {offsets = [32, 0], sizes = [32, 64], strides = [1, 1]} : vector<128x64xf32> to vector<32x64xf32>
      %slice3A_504 = vector.extract_strided_slice %add3A_501 {offsets = [64, 0], sizes = [32, 64], strides = [1, 1]} : vector<128x64xf32> to vector<32x64xf32>
      %slice3A_505 = vector.extract_strided_slice %add3A_501 {offsets = [96, 0], sizes = [32, 64], strides = [1, 1]} : vector<128x64xf32> to vector<32x64xf32>
      %logistic3A_506 = arith.negf %slice3A_503 : vector<32x64xf32>
      %logistic3A_507 = math.exp %logistic3A_506 : vector<32x64xf32>
      %logistic3A_508 = arith.constant 1.000000e+00 : f32
      %logistic3A_509 = vector.broadcast %logistic3A_508 : f32 to vector<32x64xf32>
      %logistic3A_510 = arith.addf %logistic3A_509, %logistic3A_507 : vector<32x64xf32>
      %logistic3A_511 = arith.divf %logistic3A_509, %logistic3A_510 : vector<32x64xf32>
      %mul3A_512 = arith.mulf %logistic3A_511, %add3A_486 : vector<32x64xf32>
      %logistic3A_513 = arith.negf %slice3A_502 : vector<32x64xf32>
      %logistic3A_514 = math.exp %logistic3A_513 : vector<32x64xf32>
      %logistic3A_515 = arith.constant 1.000000e+00 : f32
      %logistic3A_516 = vector.broadcast %logistic3A_515 : f32 to vector<32x64xf32>
      %logistic3A_517 = arith.addf %logistic3A_516, %logistic3A_514 : vector<32x64xf32>
      %logistic3A_518 = arith.divf %logistic3A_516, %logistic3A_517 : vector<32x64xf32>
      %tanh3A_519 = math.tanh %slice3A_504 : vector<32x64xf32>
      %mul3A_520 = arith.mulf %logistic3A_518, %tanh3A_519 : vector<32x64xf32>
      %add3A_521 = arith.addf %mul3A_512, %mul3A_520 : vector<32x64xf32>
      %logistic3A_522 = arith.negf %slice3A_505 : vector<32x64xf32>
      %logistic3A_523 = math.exp %logistic3A_522 : vector<32x64xf32>
      %logistic3A_524 = arith.constant 1.000000e+00 : f32
      %logistic3A_525 = vector.broadcast %logistic3A_524 : f32 to vector<32x64xf32>
      %logistic3A_526 = arith.addf %logistic3A_525, %logistic3A_523 : vector<32x64xf32>
      %logistic3A_527 = arith.divf %logistic3A_525, %logistic3A_526 : vector<32x64xf32>
      %tanh3A_528 = math.tanh %add3A_521 : vector<32x64xf32>
      %mul3A_529 = arith.mulf %logistic3A_527, %tanh3A_528 : vector<32x64xf32>
      %transpose3A_530 = tpu.transpose %mul3A_529, [1, 0] : vector<32x64xf32> -> vector<64x32xf32>
      %get3A_531 = arith.constant 0 : index
      %get3A_532 = arith.constant 0 : index
      %get3A_533 = vector.load %arg18[%get3A_531, %get3A_532] : memref<128x32xf32, #tpu.memory_space<vmem>>, vector<128x32xf32>
      %dot_general3A_534 = arith.constant dense<0.000000e+00> : vector<128x64xf32>
      %dot_general3A_535 = tpu.matmul %get3A_533, %mul3A_529, %dot_general3A_534 {dimension_numbers = #tpu.dot_dimension_numbers<[1], [0], [0], [1], [0, 0, 1, 1], [], []>, transpose_lhs_hint = false} : vector<128x32xf32>, vector<32x64xf32>, vector<128x64xf32> -> vector<128x64xf32>
      %add3A_536 = arith.addf %add3A_278, %dot_general3A_535 : vector<128x64xf32>
      %slice3A_537 = vector.extract_strided_slice %add3A_536 {offsets = [0, 0], sizes = [32, 64], strides = [1, 1]} : vector<128x64xf32> to vector<32x64xf32>
      %slice3A_538 = vector.extract_strided_slice %add3A_536 {offsets = [32, 0], sizes = [32, 64], strides = [1, 1]} : vector<128x64xf32> to vector<32x64xf32>
      %slice3A_539 = vector.extract_strided_slice %add3A_536 {offsets = [64, 0], sizes = [32, 64], strides = [1, 1]} : vector<128x64xf32> to vector<32x64xf32>
      %slice3A_540 = vector.extract_strided_slice %add3A_536 {offsets = [96, 0], sizes = [32, 64], strides = [1, 1]} : vector<128x64xf32> to vector<32x64xf32>
      %logistic3A_541 = arith.negf %slice3A_538 : vector<32x64xf32>
      %logistic3A_542 = math.exp %logistic3A_541 : vector<32x64xf32>
      %logistic3A_543 = arith.constant 1.000000e+00 : f32
      %logistic3A_544 = vector.broadcast %logistic3A_543 : f32 to vector<32x64xf32>
      %logistic3A_545 = arith.addf %logistic3A_544, %logistic3A_542 : vector<32x64xf32>
      %logistic3A_546 = arith.divf %logistic3A_544, %logistic3A_545 : vector<32x64xf32>
      %mul3A_547 = arith.mulf %logistic3A_546, %add3A_521 : vector<32x64xf32>
      %logistic3A_548 = arith.negf %slice3A_537 : vector<32x64xf32>
      %logistic3A_549 = math.exp %logistic3A_548 : vector<32x64xf32>
      %logistic3A_550 = arith.constant 1.000000e+00 : f32
      %logistic3A_551 = vector.broadcast %logistic3A_550 : f32 to vector<32x64xf32>
      %logistic3A_552 = arith.addf %logistic3A_551, %logistic3A_549 : vector<32x64xf32>
      %logistic3A_553 = arith.divf %logistic3A_551, %logistic3A_552 : vector<32x64xf32>
      %tanh3A_554 = math.tanh %slice3A_539 : vector<32x64xf32>
      %mul3A_555 = arith.mulf %logistic3A_553, %tanh3A_554 : vector<32x64xf32>
      %add3A_556 = arith.addf %mul3A_547, %mul3A_555 : vector<32x64xf32>
      %logistic3A_557 = arith.negf %slice3A_540 : vector<32x64xf32>
      %logistic3A_558 = math.exp %logistic3A_557 : vector<32x64xf32>
      %logistic3A_559 = arith.constant 1.000000e+00 : f32
      %logistic3A_560 = vector.broadcast %logistic3A_559 : f32 to vector<32x64xf32>
      %logistic3A_561 = arith.addf %logistic3A_560, %logistic3A_558 : vector<32x64xf32>
      %logistic3A_562 = arith.divf %logistic3A_560, %logistic3A_561 : vector<32x64xf32>
      %tanh3A_563 = math.tanh %add3A_556 : vector<32x64xf32>
      %mul3A_564 = arith.mulf %logistic3A_562, %tanh3A_563 : vector<32x64xf32>
      %transpose3A_565 = tpu.transpose %mul3A_564, [1, 0] : vector<32x64xf32> -> vector<64x32xf32>
      %get3A_566 = arith.constant 0 : index
      %get3A_567 = arith.constant 0 : index
      %get3A_568 = vector.load %arg18[%get3A_566, %get3A_567] : memref<128x32xf32, #tpu.memory_space<vmem>>, vector<128x32xf32>
      %dot_general3A_569 = arith.constant dense<0.000000e+00> : vector<128x64xf32>
      %dot_general3A_570 = tpu.matmul %get3A_568, %mul3A_564, %dot_general3A_569 {dimension_numbers = #tpu.dot_dimension_numbers<[1], [0], [0], [1], [0, 0, 1, 1], [], []>, transpose_lhs_hint = false} : vector<128x32xf32>, vector<32x64xf32>, vector<128x64xf32> -> vector<128x64xf32>
      %add3A_571 = arith.addf %add3A_282, %dot_general3A_570 : vector<128x64xf32>
      %slice3A_572 = vector.extract_strided_slice %add3A_571 {offsets = [0, 0], sizes = [32, 64], strides = [1, 1]} : vector<128x64xf32> to vector<32x64xf32>
      %slice3A_573 = vector.extract_strided_slice %add3A_571 {offsets = [32, 0], sizes = [32, 64], strides = [1, 1]} : vector<128x64xf32> to vector<32x64xf32>
      %slice3A_574 = vector.extract_strided_slice %add3A_571 {offsets = [64, 0], sizes = [32, 64], strides = [1, 1]} : vector<128x64xf32> to vector<32x64xf32>
      %slice3A_575 = vector.extract_strided_slice %add3A_571 {offsets = [96, 0], sizes = [32, 64], strides = [1, 1]} : vector<128x64xf32> to vector<32x64xf32>
      %logistic3A_576 = arith.negf %slice3A_573 : vector<32x64xf32>
      %logistic3A_577 = math.exp %logistic3A_576 : vector<32x64xf32>
      %logistic3A_578 = arith.constant 1.000000e+00 : f32
      %logistic3A_579 = vector.broadcast %logistic3A_578 : f32 to vector<32x64xf32>
      %logistic3A_580 = arith.addf %logistic3A_579, %logistic3A_577 : vector<32x64xf32>
      %logistic3A_581 = arith.divf %logistic3A_579, %logistic3A_580 : vector<32x64xf32>
      %mul3A_582 = arith.mulf %logistic3A_581, %add3A_556 : vector<32x64xf32>
      %logistic3A_583 = arith.negf %slice3A_572 : vector<32x64xf32>
      %logistic3A_584 = math.exp %logistic3A_583 : vector<32x64xf32>
      %logistic3A_585 = arith.constant 1.000000e+00 : f32
      %logistic3A_586 = vector.broadcast %logistic3A_585 : f32 to vector<32x64xf32>
      %logistic3A_587 = arith.addf %logistic3A_586, %logistic3A_584 : vector<32x64xf32>
      %logistic3A_588 = arith.divf %logistic3A_586, %logistic3A_587 : vector<32x64xf32>
      %tanh3A_589 = math.tanh %slice3A_574 : vector<32x64xf32>
      %mul3A_590 = arith.mulf %logistic3A_588, %tanh3A_589 : vector<32x64xf32>
      %add3A_591 = arith.addf %mul3A_582, %mul3A_590 : vector<32x64xf32>
      %logistic3A_592 = arith.negf %slice3A_575 : vector<32x64xf32>
      %logistic3A_593 = math.exp %logistic3A_592 : vector<32x64xf32>
      %logistic3A_594 = arith.constant 1.000000e+00 : f32
      %logistic3A_595 = vector.broadcast %logistic3A_594 : f32 to vector<32x64xf32>
      %logistic3A_596 = arith.addf %logistic3A_595, %logistic3A_593 : vector<32x64xf32>
      %logistic3A_597 = arith.divf %logistic3A_595, %logistic3A_596 : vector<32x64xf32>
      %tanh3A_598 = math.tanh %add3A_591 : vector<32x64xf32>
      %mul3A_599 = arith.mulf %logistic3A_597, %tanh3A_598 : vector<32x64xf32>
      %transpose3A_600 = tpu.transpose %mul3A_599, [1, 0] : vector<32x64xf32> -> vector<64x32xf32>
      %get3A_601 = arith.constant 0 : index
      %get3A_602 = arith.constant 0 : index
      %get3A_603 = vector.load %arg18[%get3A_601, %get3A_602] : memref<128x32xf32, #tpu.memory_space<vmem>>, vector<128x32xf32>
      %dot_general3A_604 = arith.constant dense<0.000000e+00> : vector<128x64xf32>
      %dot_general3A_605 = tpu.matmul %get3A_603, %mul3A_599, %dot_general3A_604 {dimension_numbers = #tpu.dot_dimension_numbers<[1], [0], [0], [1], [0, 0, 1, 1], [], []>, transpose_lhs_hint = false} : vector<128x32xf32>, vector<32x64xf32>, vector<128x64xf32> -> vector<128x64xf32>
      %add3A_606 = arith.addf %add3A_286, %dot_general3A_605 : vector<128x64xf32>
      %slice3A_607 = vector.extract_strided_slice %add3A_606 {offsets = [0, 0], sizes = [32, 64], strides = [1, 1]} : vector<128x64xf32> to vector<32x64xf32>
      %slice3A_608 = vector.extract_strided_slice %add3A_606 {offsets = [32, 0], sizes = [32, 64], strides = [1, 1]} : vector<128x64xf32> to vector<32x64xf32>
      %slice3A_609 = vector.extract_strided_slice %add3A_606 {offsets = [64, 0], sizes = [32, 64], strides = [1, 1]} : vector<128x64xf32> to vector<32x64xf32>
      %slice3A_610 = vector.extract_strided_slice %add3A_606 {offsets = [96, 0], sizes = [32, 64], strides = [1, 1]} : vector<128x64xf32> to vector<32x64xf32>
      %logistic3A_611 = arith.negf %slice3A_608 : vector<32x64xf32>
      %logistic3A_612 = math.exp %logistic3A_611 : vector<32x64xf32>
      %logistic3A_613 = arith.constant 1.000000e+00 : f32
      %logistic3A_614 = vector.broadcast %logistic3A_613 : f32 to vector<32x64xf32>
      %logistic3A_615 = arith.addf %logistic3A_614, %logistic3A_612 : vector<32x64xf32>
      %logistic3A_616 = arith.divf %logistic3A_614, %logistic3A_615 : vector<32x64xf32>
      %mul3A_617 = arith.mulf %logistic3A_616, %add3A_591 : vector<32x64xf32>
      %logistic3A_618 = arith.negf %slice3A_607 : vector<32x64xf32>
      %logistic3A_619 = math.exp %logistic3A_618 : vector<32x64xf32>
      %logistic3A_620 = arith.constant 1.000000e+00 : f32
      %logistic3A_621 = vector.broadcast %logistic3A_620 : f32 to vector<32x64xf32>
      %logistic3A_622 = arith.addf %logistic3A_621, %logistic3A_619 : vector<32x64xf32>
      %logistic3A_623 = arith.divf %logistic3A_621, %logistic3A_622 : vector<32x64xf32>
      %tanh3A_624 = math.tanh %slice3A_609 : vector<32x64xf32>
      %mul3A_625 = arith.mulf %logistic3A_623, %tanh3A_624 : vector<32x64xf32>
      %add3A_626 = arith.addf %mul3A_617, %mul3A_625 : vector<32x64xf32>
      %logistic3A_627 = arith.negf %slice3A_610 : vector<32x64xf32>
      %logistic3A_628 = math.exp %logistic3A_627 : vector<32x64xf32>
      %logistic3A_629 = arith.constant 1.000000e+00 : f32
      %logistic3A_630 = vector.broadcast %logistic3A_629 : f32 to vector<32x64xf32>
      %logistic3A_631 = arith.addf %logistic3A_630, %logistic3A_628 : vector<32x64xf32>
      %logistic3A_632 = arith.divf %logistic3A_630, %logistic3A_631 : vector<32x64xf32>
      %tanh3A_633 = math.tanh %add3A_626 : vector<32x64xf32>
      %mul3A_634 = arith.mulf %logistic3A_632, %tanh3A_633 : vector<32x64xf32>
      %transpose3A_635 = tpu.transpose %mul3A_634, [1, 0] : vector<32x64xf32> -> vector<64x32xf32>
      %get3A_636 = arith.constant 0 : index
      %get3A_637 = arith.constant 0 : index
      %get3A_638 = vector.load %arg18[%get3A_636, %get3A_637] : memref<128x32xf32, #tpu.memory_space<vmem>>, vector<128x32xf32>
      %dot_general3A_639 = arith.constant dense<0.000000e+00> : vector<128x64xf32>
      %dot_general3A_640 = tpu.matmul %get3A_638, %mul3A_634, %dot_general3A_639 {dimension_numbers = #tpu.dot_dimension_numbers<[1], [0], [0], [1], [0, 0, 1, 1], [], []>, transpose_lhs_hint = false} : vector<128x32xf32>, vector<32x64xf32>, vector<128x64xf32> -> vector<128x64xf32>
      %add3A_641 = arith.addf %add3A_290, %dot_general3A_640 : vector<128x64xf32>
      %slice3A_642 = vector.extract_strided_slice %add3A_641 {offsets = [0, 0], sizes = [32, 64], strides = [1, 1]} : vector<128x64xf32> to vector<32x64xf32>
      %slice3A_643 = vector.extract_strided_slice %add3A_641 {offsets = [32, 0], sizes = [32, 64], strides = [1, 1]} : vector<128x64xf32> to vector<32x64xf32>
      %slice3A_644 = vector.extract_strided_slice %add3A_641 {offsets = [64, 0], sizes = [32, 64], strides = [1, 1]} : vector<128x64xf32> to vector<32x64xf32>
      %slice3A_645 = vector.extract_strided_slice %add3A_641 {offsets = [96, 0], sizes = [32, 64], strides = [1, 1]} : vector<128x64xf32> to vector<32x64xf32>
      %logistic3A_646 = arith.negf %slice3A_643 : vector<32x64xf32>
      %logistic3A_647 = math.exp %logistic3A_646 : vector<32x64xf32>
      %logistic3A_648 = arith.constant 1.000000e+00 : f32
      %logistic3A_649 = vector.broadcast %logistic3A_648 : f32 to vector<32x64xf32>
      %logistic3A_650 = arith.addf %logistic3A_649, %logistic3A_647 : vector<32x64xf32>
      %logistic3A_651 = arith.divf %logistic3A_649, %logistic3A_650 : vector<32x64xf32>
      %mul3A_652 = arith.mulf %logistic3A_651, %add3A_626 : vector<32x64xf32>
      %logistic3A_653 = arith.negf %slice3A_642 : vector<32x64xf32>
      %logistic3A_654 = math.exp %logistic3A_653 : vector<32x64xf32>
      %logistic3A_655 = arith.constant 1.000000e+00 : f32
      %logistic3A_656 = vector.broadcast %logistic3A_655 : f32 to vector<32x64xf32>
      %logistic3A_657 = arith.addf %logistic3A_656, %logistic3A_654 : vector<32x64xf32>
      %logistic3A_658 = arith.divf %logistic3A_656, %logistic3A_657 : vector<32x64xf32>
      %tanh3A_659 = math.tanh %slice3A_644 : vector<32x64xf32>
      %mul3A_660 = arith.mulf %logistic3A_658, %tanh3A_659 : vector<32x64xf32>
      %add3A_661 = arith.addf %mul3A_652, %mul3A_660 : vector<32x64xf32>
      %logistic3A_662 = arith.negf %slice3A_645 : vector<32x64xf32>
      %logistic3A_663 = math.exp %logistic3A_662 : vector<32x64xf32>
      %logistic3A_664 = arith.constant 1.000000e+00 : f32
      %logistic3A_665 = vector.broadcast %logistic3A_664 : f32 to vector<32x64xf32>
      %logistic3A_666 = arith.addf %logistic3A_665, %logistic3A_663 : vector<32x64xf32>
      %logistic3A_667 = arith.divf %logistic3A_665, %logistic3A_666 : vector<32x64xf32>
      %tanh3A_668 = math.tanh %add3A_661 : vector<32x64xf32>
      %mul3A_669 = arith.mulf %logistic3A_667, %tanh3A_668 : vector<32x64xf32>
      %transpose3A_670 = tpu.transpose %mul3A_669, [1, 0] : vector<32x64xf32> -> vector<64x32xf32>
      %get3A_671 = arith.constant 0 : index
      %get3A_672 = arith.constant 0 : index
      %get3A_673 = vector.load %arg18[%get3A_671, %get3A_672] : memref<128x32xf32, #tpu.memory_space<vmem>>, vector<128x32xf32>
      %dot_general3A_674 = arith.constant dense<0.000000e+00> : vector<128x64xf32>
      %dot_general3A_675 = tpu.matmul %get3A_673, %mul3A_669, %dot_general3A_674 {dimension_numbers = #tpu.dot_dimension_numbers<[1], [0], [0], [1], [0, 0, 1, 1], [], []>, transpose_lhs_hint = false} : vector<128x32xf32>, vector<32x64xf32>, vector<128x64xf32> -> vector<128x64xf32>
      %add3A_676 = arith.addf %add3A_294, %dot_general3A_675 : vector<128x64xf32>
      %slice3A_677 = vector.extract_strided_slice %add3A_676 {offsets = [0, 0], sizes = [32, 64], strides = [1, 1]} : vector<128x64xf32> to vector<32x64xf32>
      %slice3A_678 = vector.extract_strided_slice %add3A_676 {offsets = [32, 0], sizes = [32, 64], strides = [1, 1]} : vector<128x64xf32> to vector<32x64xf32>
      %slice3A_679 = vector.extract_strided_slice %add3A_676 {offsets = [64, 0], sizes = [32, 64], strides = [1, 1]} : vector<128x64xf32> to vector<32x64xf32>
      %slice3A_680 = vector.extract_strided_slice %add3A_676 {offsets = [96, 0], sizes = [32, 64], strides = [1, 1]} : vector<128x64xf32> to vector<32x64xf32>
      %logistic3A_681 = arith.negf %slice3A_678 : vector<32x64xf32>
      %logistic3A_682 = math.exp %logistic3A_681 : vector<32x64xf32>
      %logistic3A_683 = arith.constant 1.000000e+00 : f32
      %logistic3A_684 = vector.broadcast %logistic3A_683 : f32 to vector<32x64xf32>
      %logistic3A_685 = arith.addf %logistic3A_684, %logistic3A_682 : vector<32x64xf32>
      %logistic3A_686 = arith.divf %logistic3A_684, %logistic3A_685 : vector<32x64xf32>
      %mul3A_687 = arith.mulf %logistic3A_686, %add3A_661 : vector<32x64xf32>
      %logistic3A_688 = arith.negf %slice3A_677 : vector<32x64xf32>
      %logistic3A_689 = math.exp %logistic3A_688 : vector<32x64xf32>
      %logistic3A_690 = arith.constant 1.000000e+00 : f32
      %logistic3A_691 = vector.broadcast %logistic3A_690 : f32 to vector<32x64xf32>
      %logistic3A_692 = arith.addf %logistic3A_691, %logistic3A_689 : vector<32x64xf32>
      %logistic3A_693 = arith.divf %logistic3A_691, %logistic3A_692 : vector<32x64xf32>
      %tanh3A_694 = math.tanh %slice3A_679 : vector<32x64xf32>
      %mul3A_695 = arith.mulf %logistic3A_693, %tanh3A_694 : vector<32x64xf32>
      %add3A_696 = arith.addf %mul3A_687, %mul3A_695 : vector<32x64xf32>
      %logistic3A_697 = arith.negf %slice3A_680 : vector<32x64xf32>
      %logistic3A_698 = math.exp %logistic3A_697 : vector<32x64xf32>
      %logistic3A_699 = arith.constant 1.000000e+00 : f32
      %logistic3A_700 = vector.broadcast %logistic3A_699 : f32 to vector<32x64xf32>
      %logistic3A_701 = arith.addf %logistic3A_700, %logistic3A_698 : vector<32x64xf32>
      %logistic3A_702 = arith.divf %logistic3A_700, %logistic3A_701 : vector<32x64xf32>
      %tanh3A_703 = math.tanh %add3A_696 : vector<32x64xf32>
      %mul3A_704 = arith.mulf %logistic3A_702, %tanh3A_703 : vector<32x64xf32>
      %transpose3A_705 = tpu.transpose %mul3A_704, [1, 0] : vector<32x64xf32> -> vector<64x32xf32>
      %get3A_706 = arith.constant 0 : index
      %get3A_707 = arith.constant 0 : index
      %get3A_708 = vector.load %arg18[%get3A_706, %get3A_707] : memref<128x32xf32, #tpu.memory_space<vmem>>, vector<128x32xf32>
      %dot_general3A_709 = arith.constant dense<0.000000e+00> : vector<128x64xf32>
      %dot_general3A_710 = tpu.matmul %get3A_708, %mul3A_704, %dot_general3A_709 {dimension_numbers = #tpu.dot_dimension_numbers<[1], [0], [0], [1], [0, 0, 1, 1], [], []>, transpose_lhs_hint = false} : vector<128x32xf32>, vector<32x64xf32>, vector<128x64xf32> -> vector<128x64xf32>
      %add3A_711 = arith.addf %add3A_298, %dot_general3A_710 : vector<128x64xf32>
      %slice3A_712 = vector.extract_strided_slice %add3A_711 {offsets = [0, 0], sizes = [32, 64], strides = [1, 1]} : vector<128x64xf32> to vector<32x64xf32>
      %slice3A_713 = vector.extract_strided_slice %add3A_711 {offsets = [32, 0], sizes = [32, 64], strides = [1, 1]} : vector<128x64xf32> to vector<32x64xf32>
      %slice3A_714 = vector.extract_strided_slice %add3A_711 {offsets = [64, 0], sizes = [32, 64], strides = [1, 1]} : vector<128x64xf32> to vector<32x64xf32>
      %slice3A_715 = vector.extract_strided_slice %add3A_711 {offsets = [96, 0], sizes = [32, 64], strides = [1, 1]} : vector<128x64xf32> to vector<32x64xf32>
      %logistic3A_716 = arith.negf %slice3A_713 : vector<32x64xf32>
      %logistic3A_717 = math.exp %logistic3A_716 : vector<32x64xf32>
      %logistic3A_718 = arith.constant 1.000000e+00 : f32
      %logistic3A_719 = vector.broadcast %logistic3A_718 : f32 to vector<32x64xf32>
      %logistic3A_720 = arith.addf %logistic3A_719, %logistic3A_717 : vector<32x64xf32>
      %logistic3A_721 = arith.divf %logistic3A_719, %logistic3A_720 : vector<32x64xf32>
      %mul3A_722 = arith.mulf %logistic3A_721, %add3A_696 : vector<32x64xf32>
      %logistic3A_723 = arith.negf %slice3A_712 : vector<32x64xf32>
      %logistic3A_724 = math.exp %logistic3A_723 : vector<32x64xf32>
      %logistic3A_725 = arith.constant 1.000000e+00 : f32
      %logistic3A_726 = vector.broadcast %logistic3A_725 : f32 to vector<32x64xf32>
      %logistic3A_727 = arith.addf %logistic3A_726, %logistic3A_724 : vector<32x64xf32>
      %logistic3A_728 = arith.divf %logistic3A_726, %logistic3A_727 : vector<32x64xf32>
      %tanh3A_729 = math.tanh %slice3A_714 : vector<32x64xf32>
      %mul3A_730 = arith.mulf %logistic3A_728, %tanh3A_729 : vector<32x64xf32>
      %add3A_731 = arith.addf %mul3A_722, %mul3A_730 : vector<32x64xf32>
      %logistic3A_732 = arith.negf %slice3A_715 : vector<32x64xf32>
      %logistic3A_733 = math.exp %logistic3A_732 : vector<32x64xf32>
      %logistic3A_734 = arith.constant 1.000000e+00 : f32
      %logistic3A_735 = vector.broadcast %logistic3A_734 : f32 to vector<32x64xf32>
      %logistic3A_736 = arith.addf %logistic3A_735, %logistic3A_733 : vector<32x64xf32>
      %logistic3A_737 = arith.divf %logistic3A_735, %logistic3A_736 : vector<32x64xf32>
      %tanh3A_738 = math.tanh %add3A_731 : vector<32x64xf32>
      %mul3A_739 = arith.mulf %logistic3A_737, %tanh3A_738 : vector<32x64xf32>
      %transpose3A_740 = tpu.transpose %mul3A_739, [1, 0] : vector<32x64xf32> -> vector<64x32xf32>
      %get3A_741 = arith.constant 0 : index
      %get3A_742 = arith.constant 0 : index
      %get3A_743 = vector.load %arg18[%get3A_741, %get3A_742] : memref<128x32xf32, #tpu.memory_space<vmem>>, vector<128x32xf32>
      %dot_general3A_744 = arith.constant dense<0.000000e+00> : vector<128x64xf32>
      %dot_general3A_745 = tpu.matmul %get3A_743, %mul3A_739, %dot_general3A_744 {dimension_numbers = #tpu.dot_dimension_numbers<[1], [0], [0], [1], [0, 0, 1, 1], [], []>, transpose_lhs_hint = false} : vector<128x32xf32>, vector<32x64xf32>, vector<128x64xf32> -> vector<128x64xf32>
      %add3A_746 = arith.addf %add3A_302, %dot_general3A_745 : vector<128x64xf32>
      %slice3A_747 = vector.extract_strided_slice %add3A_746 {offsets = [0, 0], sizes = [32, 64], strides = [1, 1]} : vector<128x64xf32> to vector<32x64xf32>
      %slice3A_748 = vector.extract_strided_slice %add3A_746 {offsets = [32, 0], sizes = [32, 64], strides = [1, 1]} : vector<128x64xf32> to vector<32x64xf32>
      %slice3A_749 = vector.extract_strided_slice %add3A_746 {offsets = [64, 0], sizes = [32, 64], strides = [1, 1]} : vector<128x64xf32> to vector<32x64xf32>
      %slice3A_750 = vector.extract_strided_slice %add3A_746 {offsets = [96, 0], sizes = [32, 64], strides = [1, 1]} : vector<128x64xf32> to vector<32x64xf32>
      %logistic3A_751 = arith.negf %slice3A_748 : vector<32x64xf32>
      %logistic3A_752 = math.exp %logistic3A_751 : vector<32x64xf32>
      %logistic3A_753 = arith.constant 1.000000e+00 : f32
      %logistic3A_754 = vector.broadcast %logistic3A_753 : f32 to vector<32x64xf32>
      %logistic3A_755 = arith.addf %logistic3A_754, %logistic3A_752 : vector<32x64xf32>
      %logistic3A_756 = arith.divf %logistic3A_754, %logistic3A_755 : vector<32x64xf32>
      %mul3A_757 = arith.mulf %logistic3A_756, %add3A_731 : vector<32x64xf32>
      %logistic3A_758 = arith.negf %slice3A_747 : vector<32x64xf32>
      %logistic3A_759 = math.exp %logistic3A_758 : vector<32x64xf32>
      %logistic3A_760 = arith.constant 1.000000e+00 : f32
      %logistic3A_761 = vector.broadcast %logistic3A_760 : f32 to vector<32x64xf32>
      %logistic3A_762 = arith.addf %logistic3A_761, %logistic3A_759 : vector<32x64xf32>
      %logistic3A_763 = arith.divf %logistic3A_761, %logistic3A_762 : vector<32x64xf32>
      %tanh3A_764 = math.tanh %slice3A_749 : vector<32x64xf32>
      %mul3A_765 = arith.mulf %logistic3A_763, %tanh3A_764 : vector<32x64xf32>
      %add3A_766 = arith.addf %mul3A_757, %mul3A_765 : vector<32x64xf32>
      %logistic3A_767 = arith.negf %slice3A_750 : vector<32x64xf32>
      %logistic3A_768 = math.exp %logistic3A_767 : vector<32x64xf32>
      %logistic3A_769 = arith.constant 1.000000e+00 : f32
      %logistic3A_770 = vector.broadcast %logistic3A_769 : f32 to vector<32x64xf32>
      %logistic3A_771 = arith.addf %logistic3A_770, %logistic3A_768 : vector<32x64xf32>
      %logistic3A_772 = arith.divf %logistic3A_770, %logistic3A_771 : vector<32x64xf32>
      %tanh3A_773 = math.tanh %add3A_766 : vector<32x64xf32>
      %mul3A_774 = arith.mulf %logistic3A_772, %tanh3A_773 : vector<32x64xf32>
      %transpose3A_775 = tpu.transpose %mul3A_774, [1, 0] : vector<32x64xf32> -> vector<64x32xf32>
      %get3A_776 = arith.constant 0 : index
      %get3A_777 = arith.constant 0 : index
      %get3A_778 = vector.load %arg18[%get3A_776, %get3A_777] : memref<128x32xf32, #tpu.memory_space<vmem>>, vector<128x32xf32>
      %dot_general3A_779 = arith.constant dense<0.000000e+00> : vector<128x64xf32>
      %dot_general3A_780 = tpu.matmul %get3A_778, %mul3A_774, %dot_general3A_779 {dimension_numbers = #tpu.dot_dimension_numbers<[1], [0], [0], [1], [0, 0, 1, 1], [], []>, transpose_lhs_hint = false} : vector<128x32xf32>, vector<32x64xf32>, vector<128x64xf32> -> vector<128x64xf32>
      %add3A_781 = arith.addf %add3A_306, %dot_general3A_780 : vector<128x64xf32>
      %slice3A_782 = vector.extract_strided_slice %add3A_781 {offsets = [0, 0], sizes = [32, 64], strides = [1, 1]} : vector<128x64xf32> to vector<32x64xf32>
      %slice3A_783 = vector.extract_strided_slice %add3A_781 {offsets = [32, 0], sizes = [32, 64], strides = [1, 1]} : vector<128x64xf32> to vector<32x64xf32>
      %slice3A_784 = vector.extract_strided_slice %add3A_781 {offsets = [64, 0], sizes = [32, 64], strides = [1, 1]} : vector<128x64xf32> to vector<32x64xf32>
      %slice3A_785 = vector.extract_strided_slice %add3A_781 {offsets = [96, 0], sizes = [32, 64], strides = [1, 1]} : vector<128x64xf32> to vector<32x64xf32>
      %logistic3A_786 = arith.negf %slice3A_783 : vector<32x64xf32>
      %logistic3A_787 = math.exp %logistic3A_786 : vector<32x64xf32>
      %logistic3A_788 = arith.constant 1.000000e+00 : f32
      %logistic3A_789 = vector.broadcast %logistic3A_788 : f32 to vector<32x64xf32>
      %logistic3A_790 = arith.addf %logistic3A_789, %logistic3A_787 : vector<32x64xf32>
      %logistic3A_791 = arith.divf %logistic3A_789, %logistic3A_790 : vector<32x64xf32>
      %mul3A_792 = arith.mulf %logistic3A_791, %add3A_766 : vector<32x64xf32>
      %logistic3A_793 = arith.negf %slice3A_782 : vector<32x64xf32>
      %logistic3A_794 = math.exp %logistic3A_793 : vector<32x64xf32>
      %logistic3A_795 = arith.constant 1.000000e+00 : f32
      %logistic3A_796 = vector.broadcast %logistic3A_795 : f32 to vector<32x64xf32>
      %logistic3A_797 = arith.addf %logistic3A_796, %logistic3A_794 : vector<32x64xf32>
      %logistic3A_798 = arith.divf %logistic3A_796, %logistic3A_797 : vector<32x64xf32>
      %tanh3A_799 = math.tanh %slice3A_784 : vector<32x64xf32>
      %mul3A_800 = arith.mulf %logistic3A_798, %tanh3A_799 : vector<32x64xf32>
      %add3A_801 = arith.addf %mul3A_792, %mul3A_800 : vector<32x64xf32>
      %logistic3A_802 = arith.negf %slice3A_785 : vector<32x64xf32>
      %logistic3A_803 = math.exp %logistic3A_802 : vector<32x64xf32>
      %logistic3A_804 = arith.constant 1.000000e+00 : f32
      %logistic3A_805 = vector.broadcast %logistic3A_804 : f32 to vector<32x64xf32>
      %logistic3A_806 = arith.addf %logistic3A_805, %logistic3A_803 : vector<32x64xf32>
      %logistic3A_807 = arith.divf %logistic3A_805, %logistic3A_806 : vector<32x64xf32>
      %tanh3A_808 = math.tanh %add3A_801 : vector<32x64xf32>
      %mul3A_809 = arith.mulf %logistic3A_807, %tanh3A_808 : vector<32x64xf32>
      %transpose3A_810 = tpu.transpose %mul3A_809, [1, 0] : vector<32x64xf32> -> vector<64x32xf32>
      %get3A_811 = arith.constant 0 : index
      %get3A_812 = arith.constant 0 : index
      %get3A_813 = vector.load %arg18[%get3A_811, %get3A_812] : memref<128x32xf32, #tpu.memory_space<vmem>>, vector<128x32xf32>
      %dot_general3A_814 = arith.constant dense<0.000000e+00> : vector<128x64xf32>
      %dot_general3A_815 = tpu.matmul %get3A_813, %mul3A_809, %dot_general3A_814 {dimension_numbers = #tpu.dot_dimension_numbers<[1], [0], [0], [1], [0, 0, 1, 1], [], []>, transpose_lhs_hint = false} : vector<128x32xf32>, vector<32x64xf32>, vector<128x64xf32> -> vector<128x64xf32>
      %add3A_816 = arith.addf %add3A_310, %dot_general3A_815 : vector<128x64xf32>
      %slice3A_817 = vector.extract_strided_slice %add3A_816 {offsets = [0, 0], sizes = [32, 64], strides = [1, 1]} : vector<128x64xf32> to vector<32x64xf32>
      %slice3A_818 = vector.extract_strided_slice %add3A_816 {offsets = [32, 0], sizes = [32, 64], strides = [1, 1]} : vector<128x64xf32> to vector<32x64xf32>
      %slice3A_819 = vector.extract_strided_slice %add3A_816 {offsets = [64, 0], sizes = [32, 64], strides = [1, 1]} : vector<128x64xf32> to vector<32x64xf32>
      %slice3A_820 = vector.extract_strided_slice %add3A_816 {offsets = [96, 0], sizes = [32, 64], strides = [1, 1]} : vector<128x64xf32> to vector<32x64xf32>
      %logistic3A_821 = arith.negf %slice3A_818 : vector<32x64xf32>
      %logistic3A_822 = math.exp %logistic3A_821 : vector<32x64xf32>
      %logistic3A_823 = arith.constant 1.000000e+00 : f32
      %logistic3A_824 = vector.broadcast %logistic3A_823 : f32 to vector<32x64xf32>
      %logistic3A_825 = arith.addf %logistic3A_824, %logistic3A_822 : vector<32x64xf32>
      %logistic3A_826 = arith.divf %logistic3A_824, %logistic3A_825 : vector<32x64xf32>
      %mul3A_827 = arith.mulf %logistic3A_826, %add3A_801 : vector<32x64xf32>
      %logistic3A_828 = arith.negf %slice3A_817 : vector<32x64xf32>
      %logistic3A_829 = math.exp %logistic3A_828 : vector<32x64xf32>
      %logistic3A_830 = arith.constant 1.000000e+00 : f32
      %logistic3A_831 = vector.broadcast %logistic3A_830 : f32 to vector<32x64xf32>
      %logistic3A_832 = arith.addf %logistic3A_831, %logistic3A_829 : vector<32x64xf32>
      %logistic3A_833 = arith.divf %logistic3A_831, %logistic3A_832 : vector<32x64xf32>
      %tanh3A_834 = math.tanh %slice3A_819 : vector<32x64xf32>
      %mul3A_835 = arith.mulf %logistic3A_833, %tanh3A_834 : vector<32x64xf32>
      %add3A_836 = arith.addf %mul3A_827, %mul3A_835 : vector<32x64xf32>
      %logistic3A_837 = arith.negf %slice3A_820 : vector<32x64xf32>
      %logistic3A_838 = math.exp %logistic3A_837 : vector<32x64xf32>
      %logistic3A_839 = arith.constant 1.000000e+00 : f32
      %logistic3A_840 = vector.broadcast %logistic3A_839 : f32 to vector<32x64xf32>
      %logistic3A_841 = arith.addf %logistic3A_840, %logistic3A_838 : vector<32x64xf32>
      %logistic3A_842 = arith.divf %logistic3A_840, %logistic3A_841 : vector<32x64xf32>
      %tanh3A_843 = math.tanh %add3A_836 : vector<32x64xf32>
      %mul3A_844 = arith.mulf %logistic3A_842, %tanh3A_843 : vector<32x64xf32>
      %transpose3A_845 = tpu.transpose %mul3A_844, [1, 0] : vector<32x64xf32> -> vector<64x32xf32>
      %get3A_846 = arith.constant 0 : index
      %get3A_847 = arith.constant 0 : index
      %get3A_848 = vector.load %arg18[%get3A_846, %get3A_847] : memref<128x32xf32, #tpu.memory_space<vmem>>, vector<128x32xf32>
      %dot_general3A_849 = arith.constant dense<0.000000e+00> : vector<128x64xf32>
      %dot_general3A_850 = tpu.matmul %get3A_848, %mul3A_844, %dot_general3A_849 {dimension_numbers = #tpu.dot_dimension_numbers<[1], [0], [0], [1], [0, 0, 1, 1], [], []>, transpose_lhs_hint = false} : vector<128x32xf32>, vector<32x64xf32>, vector<128x64xf32> -> vector<128x64xf32>
      %add3A_851 = arith.addf %add3A_314, %dot_general3A_850 : vector<128x64xf32>
      %slice3A_852 = vector.extract_strided_slice %add3A_851 {offsets = [0, 0], sizes = [32, 64], strides = [1, 1]} : vector<128x64xf32> to vector<32x64xf32>
      %slice3A_853 = vector.extract_strided_slice %add3A_851 {offsets = [32, 0], sizes = [32, 64], strides = [1, 1]} : vector<128x64xf32> to vector<32x64xf32>
      %slice3A_854 = vector.extract_strided_slice %add3A_851 {offsets = [64, 0], sizes = [32, 64], strides = [1, 1]} : vector<128x64xf32> to vector<32x64xf32>
      %slice3A_855 = vector.extract_strided_slice %add3A_851 {offsets = [96, 0], sizes = [32, 64], strides = [1, 1]} : vector<128x64xf32> to vector<32x64xf32>
      %logistic3A_856 = arith.negf %slice3A_853 : vector<32x64xf32>
      %logistic3A_857 = math.exp %logistic3A_856 : vector<32x64xf32>
      %logistic3A_858 = arith.constant 1.000000e+00 : f32
      %logistic3A_859 = vector.broadcast %logistic3A_858 : f32 to vector<32x64xf32>
      %logistic3A_860 = arith.addf %logistic3A_859, %logistic3A_857 : vector<32x64xf32>
      %logistic3A_861 = arith.divf %logistic3A_859, %logistic3A_860 : vector<32x64xf32>
      %mul3A_862 = arith.mulf %logistic3A_861, %add3A_836 : vector<32x64xf32>
      %logistic3A_863 = arith.negf %slice3A_852 : vector<32x64xf32>
      %logistic3A_864 = math.exp %logistic3A_863 : vector<32x64xf32>
      %logistic3A_865 = arith.constant 1.000000e+00 : f32
      %logistic3A_866 = vector.broadcast %logistic3A_865 : f32 to vector<32x64xf32>
      %logistic3A_867 = arith.addf %logistic3A_866, %logistic3A_864 : vector<32x64xf32>
      %logistic3A_868 = arith.divf %logistic3A_866, %logistic3A_867 : vector<32x64xf32>
      %tanh3A_869 = math.tanh %slice3A_854 : vector<32x64xf32>
      %mul3A_870 = arith.mulf %logistic3A_868, %tanh3A_869 : vector<32x64xf32>
      %add3A_871 = arith.addf %mul3A_862, %mul3A_870 : vector<32x64xf32>
      %logistic3A_872 = arith.negf %slice3A_855 : vector<32x64xf32>
      %logistic3A_873 = math.exp %logistic3A_872 : vector<32x64xf32>
      %logistic3A_874 = arith.constant 1.000000e+00 : f32
      %logistic3A_875 = vector.broadcast %logistic3A_874 : f32 to vector<32x64xf32>
      %logistic3A_876 = arith.addf %logistic3A_875, %logistic3A_873 : vector<32x64xf32>
      %logistic3A_877 = arith.divf %logistic3A_875, %logistic3A_876 : vector<32x64xf32>
      %tanh3A_878 = math.tanh %add3A_871 : vector<32x64xf32>
      %mul3A_879 = arith.mulf %logistic3A_877, %tanh3A_878 : vector<32x64xf32>
      %transpose3A_880 = tpu.transpose %mul3A_879, [1, 0] : vector<32x64xf32> -> vector<64x32xf32>
      %get3A_881 = arith.constant 0 : index
      %get3A_882 = arith.constant 0 : index
      %get3A_883 = vector.load %arg18[%get3A_881, %get3A_882] : memref<128x32xf32, #tpu.memory_space<vmem>>, vector<128x32xf32>
      %dot_general3A_884 = arith.constant dense<0.000000e+00> : vector<128x64xf32>
      %dot_general3A_885 = tpu.matmul %get3A_883, %mul3A_879, %dot_general3A_884 {dimension_numbers = #tpu.dot_dimension_numbers<[1], [0], [0], [1], [0, 0, 1, 1], [], []>, transpose_lhs_hint = false} : vector<128x32xf32>, vector<32x64xf32>, vector<128x64xf32> -> vector<128x64xf32>
      %add3A_886 = arith.addf %add3A_318, %dot_general3A_885 : vector<128x64xf32>
      %slice3A_887 = vector.extract_strided_slice %add3A_886 {offsets = [0, 0], sizes = [32, 64], strides = [1, 1]} : vector<128x64xf32> to vector<32x64xf32>
      %slice3A_888 = vector.extract_strided_slice %add3A_886 {offsets = [32, 0], sizes = [32, 64], strides = [1, 1]} : vector<128x64xf32> to vector<32x64xf32>
      %slice3A_889 = vector.extract_strided_slice %add3A_886 {offsets = [64, 0], sizes = [32, 64], strides = [1, 1]} : vector<128x64xf32> to vector<32x64xf32>
      %slice3A_890 = vector.extract_strided_slice %add3A_886 {offsets = [96, 0], sizes = [32, 64], strides = [1, 1]} : vector<128x64xf32> to vector<32x64xf32>
      %logistic3A_891 = arith.negf %slice3A_888 : vector<32x64xf32>
      %logistic3A_892 = math.exp %logistic3A_891 : vector<32x64xf32>
      %logistic3A_893 = arith.constant 1.000000e+00 : f32
      %logistic3A_894 = vector.broadcast %logistic3A_893 : f32 to vector<32x64xf32>
      %logistic3A_895 = arith.addf %logistic3A_894, %logistic3A_892 : vector<32x64xf32>
      %logistic3A_896 = arith.divf %logistic3A_894, %logistic3A_895 : vector<32x64xf32>
      %mul3A_897 = arith.mulf %logistic3A_896, %add3A_871 : vector<32x64xf32>
      %logistic3A_898 = arith.negf %slice3A_887 : vector<32x64xf32>
      %logistic3A_899 = math.exp %logistic3A_898 : vector<32x64xf32>
      %logistic3A_900 = arith.constant 1.000000e+00 : f32
      %logistic3A_901 = vector.broadcast %logistic3A_900 : f32 to vector<32x64xf32>
      %logistic3A_902 = arith.addf %logistic3A_901, %logistic3A_899 : vector<32x64xf32>
      %logistic3A_903 = arith.divf %logistic3A_901, %logistic3A_902 : vector<32x64xf32>
      %tanh3A_904 = math.tanh %slice3A_889 : vector<32x64xf32>
      %mul3A_905 = arith.mulf %logistic3A_903, %tanh3A_904 : vector<32x64xf32>
      %add3A_906 = arith.addf %mul3A_897, %mul3A_905 : vector<32x64xf32>
      %logistic3A_907 = arith.negf %slice3A_890 : vector<32x64xf32>
      %logistic3A_908 = math.exp %logistic3A_907 : vector<32x64xf32>
      %logistic3A_909 = arith.constant 1.000000e+00 : f32
      %logistic3A_910 = vector.broadcast %logistic3A_909 : f32 to vector<32x64xf32>
      %logistic3A_911 = arith.addf %logistic3A_910, %logistic3A_908 : vector<32x64xf32>
      %logistic3A_912 = arith.divf %logistic3A_910, %logistic3A_911 : vector<32x64xf32>
      %tanh3A_913 = math.tanh %add3A_906 : vector<32x64xf32>
      %mul3A_914 = arith.mulf %logistic3A_912, %tanh3A_913 : vector<32x64xf32>
      %transpose3A_915 = tpu.transpose %mul3A_914, [1, 0] : vector<32x64xf32> -> vector<64x32xf32>
      %concatenate3A_916 = tpu.concatenate %transpose3A_355, %transpose3A_390, %transpose3A_425, %transpose3A_460, %transpose3A_495, %transpose3A_530, %transpose3A_565, %transpose3A_600, %transpose3A_635, %transpose3A_670, %transpose3A_705, %transpose3A_740, %transpose3A_775, %transpose3A_810, %transpose3A_845, %transpose3A_880, %transpose3A_915 in 0 : vector<64x32xf32>, vector<64x32xf32>, vector<64x32xf32>, vector<64x32xf32>, vector<64x32xf32>, vector<64x32xf32>, vector<64x32xf32>, vector<64x32xf32>, vector<64x32xf32>, vector<64x32xf32>, vector<64x32xf32>, vector<64x32xf32>, vector<64x32xf32>, vector<64x32xf32>, vector<64x32xf32>, vector<64x32xf32>, vector<64x32xf32> -> vector<1088x32xf32>
      %reshape3A_917 = vector.shape_cast %concatenate3A_916 : vector<1088x32xf32> to vector<17x64x32xf32>
      %swap3A_918 = arith.constant 0 : index
      %swap3A_919 = arith.constant 0 : index
      %swap3A_920 = arith.constant 0 : index
      %swap3A_921 = vector.load %arg22[%swap3A_918, %swap3A_919, %swap3A_920] : memref<17x64x32xf32, #tpu.memory_space<vmem>>, vector<17x64x32xf32>
      tpu.vector_store %arg22[%swap3A_918, %swap3A_919, %swap3A_920], %reshape3A_917 {strides = array<i32>} : memref<17x64x32xf32, #tpu.memory_space<vmem>>, vector<17x64x32xf32>,
    } else {
    }
    %get3A = arith.constant 0 : index
    %get3A_2 = arith.constant 0 : index
    %get3A_3 = arith.constant 0 : index
    %get3A_4 = vector.load %arg3[%get3A, %get3A_2, %get3A_3] : memref<8x512x256xf32, #tpu.memory_space<vmem>>, vector<8x512x256xf32>
    %reshape3A = vector.shape_cast %get3A_4 : vector<8x512x256xf32> to vector<4096x256xf32>
    %get3A_5 = arith.constant 0 : index
    %get3A_6 = arith.constant 0 : index
    %get3A_7 = vector.load %arg6[%get3A_5, %get3A_6] : memref<32x256xf32, #tpu.memory_space<vmem>>, vector<32x256xf32>
    %dot_general3A = arith.constant dense<0.000000e+00> : vector<4096x32xf32>
    %dot_general3A_8 = tpu.matmul %reshape3A, %get3A_7, %dot_general3A {dimension_numbers = #tpu.dot_dimension_numbers<[1], [1], [0], [0], [0, 0, 1, 0], [], []>, transpose_lhs_hint = false} : vector<4096x256xf32>, vector<32x256xf32>, vector<4096x32xf32> -> vector<4096x32xf32>
    %get3A_9 = arith.constant 0 : index
    %get3A_10 = vector.load %arg7[%get3A_9] : memref<32xf32, #tpu.memory_space<vmem>>, vector<32xf32>
    %broadcast_in_dim3A = vector.shape_cast %get3A_10 : vector<32xf32> to vector<1x32xf32>
    %add3A = vector.broadcast %broadcast_in_dim3A : vector<1x32xf32> to vector<4096x32xf32>
    %add3A_11 = arith.addf %dot_general3A_8, %add3A : vector<4096x32xf32>
    %reshape3A_12 = vector.shape_cast %add3A_11 : vector<4096x32xf32> to vector<8x512x32xf32>
    %get3A_13 = arith.constant 0 : index
    %get3A_14 = arith.constant 0 : index
    %get3A_15 = vector.load %arg16[%get3A_13, %get3A_14] : memref<1x32xf32, #tpu.memory_space<vmem>>, vector<1x32xf32>
    %broadcast_in_dim3A_16 = vector.shape_cast %get3A_15 : vector<1x32xf32> to vector<1x1x32xf32>
    %broadcast_in_dim3A_17 = vector.shape_cast %broadcast_in_dim3A_16 : vector<1x1x32xf32> to vector<1x1x32xf32>
    %broadcast_in_dim3A_18 = vector.broadcast %broadcast_in_dim3A_17 : vector<1x1x32xf32> to vector<8x1x32xf32>
    %concatenate3A = tpu.concatenate %reshape3A_12, %broadcast_in_dim3A_18 in 1 : vector<8x512x32xf32>, vector<8x1x32xf32> -> vector<8x513x32xf32>
    %mul3A = arith.constant 8 : i32
    %mul3A_19 = arith.muli %arg0, %mul3A : i32
    %get3A_20 = arith.constant 0 : index
    %get3A_21 = arith.index_cast %mul3A_19 : i32 to index
    %get3A_22 = arith.constant 0 : index
    %get3A_23 = vector.load %arg22[%get3A_20, %get3A_21, %get3A_22] : memref<17x64x32xf32, #tpu.memory_space<vmem>>, vector<17x8x32xf32>
    %dot_general3A_24 = arith.constant dense<0.000000e+00> : vector<8x17x513xf32>
    %dot_general3A_25 = tpu.matmul %get3A_23, %concatenate3A, %dot_general3A_24 {dimension_numbers = #tpu.dot_dimension_numbers<[2], [2], [0], [1], [0, 1, 0, 0, 1, 1], [1], [0]>, transpose_lhs_hint = false} : vector<17x8x32xf32>, vector<8x513x32xf32>, vector<8x17x513xf32> -> vector<8x17x513xf32>
    %mul3A_26 = arith.constant 8 : i32
    %mul3A_27 = arith.muli %arg0, %mul3A_26 : i32
    %get3A_28 = arith.index_cast %mul3A_27 : i32 to index
    %get3A_29 = arith.constant 0 : index
    %get3A_30 = vector.load %arg4[%get3A_28, %get3A_29] : memref<64x16xi32, #tpu.memory_space<vmem>>, vector<8x16xi32>
    %iota3A = tpu.iota {dimensions = array<i32: 2>} : vector<8x16x513xi32>
    %broadcast_in_dim3A_31 = vector.shape_cast %get3A_30 : vector<8x16xi32> to vector<8x16x1xi32>
    %eq3A_32 = vector.broadcast %broadcast_in_dim3A_31 : vector<8x16x1xi32> to vector<8x16x513xi32>
    %eq3A_33 = arith.cmpi eq, %eq3A_32, %iota3A : vector<8x16x513xi32>
    %iota3A_34 = tpu.iota {dimensions = array<i32: 1>} : vector<8x16x513xi32>
    %jit3A = arith.constant 17 : i32
    %broadcast_in_dim3A_35 = vector.broadcast %jit3A : i32 to vector<8x16x513xi32>
    %select_n3A = arith.select %eq3A_33, %iota3A_34, %broadcast_in_dim3A_35 : vector<8x16x513xi1>, vector<8x16x513xi32>
    %reduce_min3A = arith.constant dense<2147483647> : vector<8x513xi32>
    %reduce_min3A_36 = vector.multi_reduction <minsi>, %select_n3A, %reduce_min3A [1] : vector<8x16x513xi32> to vector<8x513xi32>
    %iota3A_37 = tpu.iota {dimensions = array<i32: 1>} : vector<8x17x513xi32>
    %broadcast_in_dim3A_38 = vector.shape_cast %reduce_min3A_36 : vector<8x513xi32> to vector<8x1x513xi32>
    %gt3A = vector.broadcast %broadcast_in_dim3A_38 : vector<8x1x513xi32> to vector<8x17x513xi32>
    %gt3A_39 = arith.cmpi sgt, %iota3A_37, %gt3A : vector<8x17x513xi32>
    %jit3A_40 = arith.constant -1.000000e+09 : f32
    %jit3A_41 = arith.constant 0.000000e+00 : f32
    %broadcast_in_dim3A_42 = vector.broadcast %jit3A_40 : f32 to vector<8x17x513xf32>
    %broadcast_in_dim3A_43 = vector.broadcast %jit3A_41 : f32 to vector<8x17x513xf32>
    %select_n3A_44 = arith.select %gt3A_39, %broadcast_in_dim3A_42, %broadcast_in_dim3A_43 : vector<8x17x513xi1>, vector<8x17x513xf32>
    %add3A_45 = arith.addf %dot_general3A_25, %select_n3A_44 : vector<8x17x513xf32>
    %swap3A = arith.constant 0 : index
    %swap3A_46 = arith.constant 0 : index
    %swap3A_47 = arith.constant 0 : index
    %swap3A_48 = vector.load %arg21[%swap3A, %swap3A_46, %swap3A_47] : memref<8x17x513xf32, #tpu.memory_space<vmem>>, vector<8x17x513xf32>
    tpu.vector_store %arg21[%swap3A, %swap3A_46, %swap3A_47], %add3A_45 {strides = array<i32>} : memref<8x17x513xf32, #tpu.memory_space<vmem>>, vector<8x17x513xf32>,
    return
  }
  func.func @transform_0(%arg0: i32) -> (i32, i32) {
    %c0_i32 = arith.constant 0 : i32
    %c0_i32_0 = arith.constant 0 : i32
    %c0_i32_1 = arith.constant 0 : i32
    return %c0_i32, %c0_i32_0 : i32, i32
  }
  func.func @transform_1(%arg0: i32) -> (i32, i32) {
    %c0_i32 = arith.constant 0 : i32
    %c0_i32_0 = arith.constant 0 : i32
    %c0_i32_1 = arith.constant 0 : i32
    return %c0_i32, %c0_i32_0 : i32, i32
  }
  func.func @transform_2(%arg0: i32) -> (i32, i32, i32) {
    %c0_i32 = arith.constant 0 : i32
    %c0_i32_0 = arith.constant 0 : i32
    %c0_i32_1 = arith.constant 0 : i32
    return %arg0, %c0_i32, %c0_i32_0 : i32, i32, i32
  }
  func.func @transform_3(%arg0: i32) -> (i32, i32) {
    %c0_i32 = arith.constant 0 : i32
    %c0_i32_0 = arith.constant 0 : i32
    %c0_i32_1 = arith.constant 0 : i32
    return %c0_i32, %c0_i32_0 : i32, i32
  }
  func.func @transform_4(%arg0: i32) -> (i32, i32) {
    %c0_i32 = arith.constant 0 : i32
    %c0_i32_0 = arith.constant 0 : i32
    %c0_i32_1 = arith.constant 0 : i32
    return %c0_i32, %c0_i32_0 : i32, i32
  }
  func.func @transform_5(%arg0: i32) -> (i32, i32) {
    %c0_i32 = arith.constant 0 : i32
    %c0_i32_0 = arith.constant 0 : i32
    %c0_i32_1 = arith.constant 0 : i32
    return %c0_i32, %c0_i32_0 : i32, i32
  }
  func.func @transform_6(%arg0: i32) -> i32 {
    %c0_i32 = arith.constant 0 : i32
    %c0_i32_0 = arith.constant 0 : i32
    return %c0_i32 : i32
  }
  func.func @transform_7(%arg0: i32) -> (i32, i32) {
    %c0_i32 = arith.constant 0 : i32
    %c0_i32_0 = arith.constant 0 : i32
    %c0_i32_1 = arith.constant 0 : i32
    return %c0_i32, %c0_i32_0 : i32, i32
  }
  func.func @transform_8(%arg0: i32) -> i32 {
    %c0_i32 = arith.constant 0 : i32
    %c0_i32_0 = arith.constant 0 : i32
    return %c0_i32 : i32
  }
  func.func @transform_9(%arg0: i32) -> (i32, i32) {
    %c0_i32 = arith.constant 0 : i32
    %c0_i32_0 = arith.constant 0 : i32
    %c0_i32_1 = arith.constant 0 : i32
    return %c0_i32, %c0_i32_0 : i32, i32
  }
  func.func @transform_10(%arg0: i32) -> i32 {
    %c0_i32 = arith.constant 0 : i32
    %c0_i32_0 = arith.constant 0 : i32
    return %c0_i32 : i32
  }
  func.func @transform_11(%arg0: i32) -> (i32, i32) {
    %c0_i32 = arith.constant 0 : i32
    %c0_i32_0 = arith.constant 0 : i32
    %c0_i32_1 = arith.constant 0 : i32
    return %c0_i32, %c0_i32_0 : i32, i32
  }
  func.func @transform_12(%arg0: i32) -> i32 {
    %c0_i32 = arith.constant 0 : i32
    %c0_i32_0 = arith.constant 0 : i32
    return %c0_i32 : i32
  }
  func.func @transform_13(%arg0: i32) -> (i32, i32) {
    %c0_i32 = arith.constant 0 : i32
    %c0_i32_0 = arith.constant 0 : i32
    %c0_i32_1 = arith.constant 0 : i32
    return %c0_i32, %c0_i32_0 : i32, i32
  }
  func.func @transform_14(%arg0: i32) -> i32 {
    %c0_i32 = arith.constant 0 : i32
    %c0_i32_0 = arith.constant 0 : i32
    return %c0_i32 : i32
  }
  func.func @transform_15(%arg0: i32) -> (i32, i32) {
    %c0_i32 = arith.constant 0 : i32
    %c0_i32_0 = arith.constant 0 : i32
    %c0_i32_1 = arith.constant 0 : i32
    return %c0_i32, %c0_i32_0 : i32, i32
  }
  func.func @transform_16(%arg0: i32) -> (i32, i32) {
    %c0_i32 = arith.constant 0 : i32
    %c0_i32_0 = arith.constant 0 : i32
    %c0_i32_1 = arith.constant 0 : i32
    return %c0_i32, %c0_i32_0 : i32, i32
  }
  func.func @transform_17(%arg0: i32) -> (i32, i32) {
    %c0_i32 = arith.constant 0 : i32
    %c0_i32_0 = arith.constant 0 : i32
    %c0_i32_1 = arith.constant 0 : i32
    return %c0_i32, %c0_i32_0 : i32, i32
  }
  func.func @transform_18(%arg0: i32) -> i32 {
    %c0_i32 = arith.constant 0 : i32
    %c0_i32_0 = arith.constant 0 : i32
    return %c0_i32 : i32
  }
  func.func @transform_19(%arg0: i32) -> i32 {
    %c0_i32 = arith.constant 0 : i32
    %c0_i32_0 = arith.constant 0 : i32
    return %c0_i32 : i32
  }
  func.func @transform_20(%arg0: i32) -> (i32, i32, i32) {
    %c0_i32 = arith.constant 0 : i32
    %c0_i32_0 = arith.constant 0 : i32
    %c0_i32_1 = arith.constant 0 : i32
    return %arg0, %c0_i32, %c0_i32_0 : i32, i32, i32
  }
}

</mosaic_0001>

<sc_bundles>
// kernel: _run.4.cloned.1.call-start
scs
__scs_entry_jumppad:
0x0: {  	(pc) =	sbr.rel $0x88, $3  }
0x1: {  	(tag) =	ssettag $0x0;
	lr =	simm.s32 $0x1  }
0x2: {  	[smem:$0x3F8E] =	sst lr;
	_ =	strace $0xD0000000  }
0x3: {  	_ = 	snop  }
0x4: {  	_ = 	snop  }
0x5: {  	_ = 	snop  }
0x6: {  	_ = 	snop  }
0x7: {  	_ = 	snop  }
__scs_overlays_trampoline_lowered:
0x8: {  	[smem:$0x3F9D] =	sst s0  }
0x9: {  	[smem:$0x3F9E] =	sst s1  }
0xa: {  	[smem:$0x3F9F] =	sst s2  }
0xb: {  	[smem:$0x3FA0] =	sst s3  }
0xc: {  	[smem:$0x3FA1] =	sst s4  }
0xd: {  	[smem:$0x3FA2] =	sst s5  }
0xe: {  	[smem:$0x3FA3] =	sst s6  }
0xf: {  	[smem:$0x3FA4] =	sst s7  }
0x10: {  	[smem:$0x3FA5] =	sst s8  }
0x11: {  	[smem:$0x3FA6] =	sst s9;
	s0 =	simm.s32 @!p0 $0x0  }
0x12: {  	s1 =	sld [smem:$0x3F8C];
	s0 =	simm.s32 @p0 $0x1  }
0x13: {  	[smem:$0x3FA7] =	sst s0;
	s0 =	simm.s32 @!p1 $0x0  }
0x14: {  	s2 =	sld [smem:$0x3F8B];
	s0 =	simm.s32 @p1 $0x1  }
0x15: {  	[smem:$0x3FA8] =	sst s0;
	s0 =	simm.s32 @!p2 $0x0  }
0x16: {  	s3 =	sld [smem:$0x3FDB];
	s0 =	simm.s32 @p2 $0x1  }
0x17: {  	s4 =	simm.s32 $0x1BF5;
	[smem:$0x3FAA] =	sst s0  }
0x18: {  	s0 =	sld [smem:$0x3F8D];
	_ =	swait.ge [sflag:s4], $0x0  }
0x19: {  	s7 =	sld [smem:$0x3F8E]  }
0x1a: {  	s8 =	sadd.s32 $0xFFFFE003, lr  }
0x1b: {  	s9 =	sadd.s32 $0xFFFFFEF7, lr;
	s5 =	simm.s32 $0xFFFFFFFF;
	p2 =	slt.u32 s8, $0xFFFFF086  }
0x1c: {  	p1 =	slt.u32 s9, $0xF7A;
	s5 =	simm.s32 @!p2 $0x0  }
0x1d: {  	s5 =	simm.s32 @p1 $0x1;
	p0 =	seq.s32 s7, s2  }
0x1e: {  	s7 =	smul.u32 @!p0 $0xF7A, s2;
	p2 =	seq.s32 @!p0 s5, $0x0  }
0x1f: {  	s9 =	smul.u32 $0xF7A, s1;
	s8 =	simm.s32 @!p0 $0x1BF5;
	p2 =	por !p2, p0  }
0x20: {  	[sflag:s8] =	ssyncset.s32 @!p0 $0xFFFFF086;
	s6 =	sadd.s32 @!p0 s3, s7;
	s7 =	simm.s32 @!p0 $0x108  }
0x21: {  	s3 =	sadd.s32 s3, s9;
	s6 =	sadd.s32 @!p0 $0x88, s6;
	s7 =	simm.s32 @p2 $0x1082  }
0x22: {  	[simem:s7], [sflag:s8] =	dma.local @!p0 [hbm:s6], $0xF7A  }
0x23: {  	s9 =	sor.u32 $0xD0000000, s2;
	s6 =	simm.s32 $0x108;
	_ =	swait.ge @!p0 [sflag:s8], $0x0  }
0x24: {  	s3 =	sadd.s32 $0x88, s3;
	s6 =	simm.s32 @!p1 $0x1082;
	[sflag:s4] =	ssyncset.s32 $0xFFFFF086  }
0x25: {  	[simem:s6], [sflag:s4] =	dma.local [hbm:s3], $0xF7A  }
0x26: {  	[smem:$0x3F8E] =	sst s1;
	(tag) =	ssettag s2;
	_ =	strace s9  }
0x27: {  	s1 =	sld [smem:$0x3F9E]  }
0x28: {  	s2 =	sld [smem:$0x3F9F]  }
0x29: {  	s4 =	sld [smem:$0x3FA1]  }
0x2a: {  	p0 =	seq.s32 s5, $0x0;
	s5 =	sld [smem:$0x3FA2]  }
0x2b: {  	s6 =	sld [smem:$0x3FA3]  }
0x2c: {  	s7 =	sld [smem:$0x3FA4]  }
0x2d: {  	s3 =	simm.s32 $0x108;
	s8 =	sld [smem:$0x3FA5]  }
0x2e: {  	s3 =	simm.s32 @!p0 $0x1082;
	s9 =	sld [smem:$0x3FA6]  }
0x2f: {  	lr =	sadd.s32 s0, s3;
	s0 =	sld [smem:$0x3F9D]  }
0x30: {  	s3 =	sld [smem:$0x3FA0]  }
0x31: {  	[smem:$0x3FA9] =	sst s10  }
0x32: {  	s10 =	sld [smem:$0x3FA7];
	_ =	sdelay $0x3  }
0x33: {  	p0 =	seq.s32 s10, $0x1;
	s10 =	sld [smem:$0x3FA9];
	_ =	sdelay $0x3  }
0x34: {  	[smem:$0x3FA9] =	sst s10  }
0x35: {  	s10 =	sld [smem:$0x3FA8];
	_ =	sdelay $0x3  }
0x36: {  	p1 =	seq.s32 s10, $0x1;
	s10 =	sld [smem:$0x3FA9];
	_ =	sdelay $0x3  }
0x37: {  	[smem:$0x3FA9] =	sst s10  }
0x38: {  	s10 =	sld [smem:$0x3FAA]  }
0x39: {  	_ = 	snop;
	(pc) =	sbr.ind lr, $3  }
0x3a: {  	_ = 	snop  }
0x3b: {  	_ = 	snop  }
0x3c: {  	p2 =	seq.s32 s10, $0x1;
	s10 =	sld [smem:$0x3FA9]  }
0x3d: {  	_ =	shalt  }
0x3e: {  	_ =	shalt  }
0x3f: {  	_ =	shalt  }
0x40: {  	_ =	shalt  }
0x41: {  	_ =	shalt  }
0x42: {  	_ =	shalt  }
0x43: {  	_ =	shalt  }
0x44: {  	_ =	shalt  }
0x45: {  	_ =	shalt  }
0x46: {  	_ =	shalt  }
0x47: {  	_ =	shalt  }
0x48: {  	_ =	shalt  }
0x49: {  	_ =	shalt  }
0x4a: {  	_ =	shalt  }
0x4b: {  	_ =	shalt  }
0x4c: {  	_ =	shalt  }
0x4d: {  	_ =	shalt  }
0x4e: {  	_ =	shalt  }
0x4f: {  	_ =	shalt  }
0x50: {  	_ =	shalt  }
0x51: {  	_ =	shalt  }
0x52: {  	_ =	shalt  }
0x53: {  	_ =	shalt  }
0x54: {  	_ =	shalt  }
0x55: {  	_ =	shalt  }
0x56: {  	_ =	shalt  }
0x57: {  	_ =	shalt  }
0x58: {  	_ =	shalt  }
0x59: {  	_ =	shalt  }
0x5a: {  	_ =	shalt  }
0x5b: {  	_ =	shalt  }
0x5c: {  	_ =	shalt  }
0x5d: {  	_ =	shalt  }
0x5e: {  	_ =	shalt  }
0x5f: {  	_ =	shalt  }
0x60: {  	_ =	shalt  }
0x61: {  	_ =	shalt  }
0x62: {  	_ =	shalt  }
0x63: {  	_ =	shalt  }
0x64: {  	_ =	shalt  }
0x65: {  	_ =	shalt  }
0x66: {  	_ =	shalt  }
0x67: {  	_ =	shalt  }
0x68: {  	_ =	shalt  }
0x69: {  	_ =	shalt  }
0x6a: {  	_ =	shalt  }
0x6b: {  	_ =	shalt  }
0x6c: {  	_ =	shalt  }
0x6d: {  	_ =	shalt  }
0x6e: {  	_ =	shalt  }
0x6f: {  	_ =	shalt  }
0x70: {  	_ =	shalt  }
0x71: {  	_ =	shalt  }
0x72: {  	_ =	shalt  }
0x73: {  	_ =	shalt  }
0x74: {  	_ =	shalt  }
0x75: {  	_ =	shalt  }
0x76: {  	_ =	shalt  }
0x77: {  	_ =	shalt  }
0x78: {  	_ =	shalt  }
0x79: {  	_ =	shalt  }
0x7a: {  	_ =	shalt  }
0x7b: {  	_ =	shalt  }
0x7c: {  	_ =	shalt  }
0x7d: {  	_ =	shalt  }
0x7e: {  	_ =	shalt  }
0x7f: {  	_ =	shalt  }
0x80: {  	_ =	shalt  }
0x81: {  	_ =	shalt  }
0x82: {  	_ =	shalt  }
0x83: {  	_ =	shalt  }
0x84: {  	_ =	shalt  }
0x85: {  	_ =	shalt  }
0x86: {  	_ =	shalt  }
0x87: {  	_ =	shalt  }
.Lfunc_end0:
.L_simem_size_0:
called_computation_lowered:
.L_overlay_start_0:
0x88: {  	s2 =	sld [smem:$0x3FD9]  }
0x89: {  	s3 =	sld [smem:$0x3FFE];
	_ =	sdelay $0x1  }
0x8a: {  	s1 =	srdreg.scid  }
0x8b: {  	s0 =	sand.u32 $0x1, s1  }
0x8c: {  	s17 =	sshll.u32 s0, $0xA;
	s2 =	sadd.s32 s3, s2  }
0x8d: {  	s2 =	sadd.s32 s2, s17  }
0x8e: {  	[smem:$0x3FB5] =	sst s2  }
0x8f: {  	_ = 	snop  }
0x90: {  	s2 =	sld [smem:$0x3FC7]  }
0x91: {  	s18 =	sld [smem:$0x3FD0];
	(tm) =	ssettm $0x1  }
0x92: {  	s4 =	sld [smem:$0x3FFB];
	_ =	sdelay $0x3  }
0x93: {  	_ =	strace s4  }
0x94: {  	s4 =	sld [smem:$0x3FFC];
	_ =	sdelay $0x3  }
0x95: {  	_ =	strace s4  }
0x96: {  	s4 =	sld [smem:$0x3FFD];
	_ =	sdelay $0x3  }
0x97: {  	_ =	strace s4  }
0x98: {  	_ =	strace $0x8FFFFFFF  }
0x99: {  	s19 =	sld [smem:$0x3FDB];
	_ =	sdelay $0x1  }
0x9a: {  	s5 =	simm.s32 $_scs_section_size  }
0x9b: {  	s6 =	simm.s32 $_size__tile_overlayer_lowered;
	s7 =	simm.s32 $_tile_overlayer_lowered  }
0x9c: {  	s22 =	simm.s32 $0x1BFF;
	s21 =	sshll.u32 s7, $0x1;
	s4 =	sadd.s32 s5, s19  }
0x9d: {  	s8 =	simm.s32 $0x0;
	s20 =	sshll.u32 s6, $0x1;
	s6 =	sadd.s32 s21, s4  }
0x9e: {  	[timem:s8], [sflag:s22] =	dma.local [hbm:s6], s20  }
0x9f: {  	_ =	swait.ge [sflag:s22], s20  }
0xa0: {  	s5 =	ssub.s32 $0x0, s20;
	[sflag:s22] =	ssyncset.done $0x0  }
0xa1: {  	[sflag:s22] =	ssyncadd.s32 s5;
	_ =	sdelay $0x1  }
0xa2: {  	s23 =	simm.s32 $0x1B8B  }
0xa3: {  	_ =	swait.ge [sflag:s23], $0x1  }
0xa4: {  	[sflag:s23] =	ssyncset.done $0x0  }
0xa5: {  	s25 =	simm.s32 $0x1B8E;
	s24 =	sld [smem:$0x3FFE];
	[sflag:s23] =	ssyncadd.s32 $0xFFFFFFFF  }
0xa6: {  	s26 =	simm.s32 $execute0_lowered;
	[smem:$0x3FD2] =	sst s25  }
0xa7: {  	s6 =	sshll.u32 s26, $0x1;
	_ =	strace $0x80000046;
	[dreg:$0x1] =	wrdreg $0xFFFFFFFF  }
0xa8: {  	s28 =	simm.s32 $_size_execute0_lowered;
	s4 =	sadd.s32 s4, s6;
	[dreg:$0x0] =	wrdreg $0x0  }
0xa9: {  	s6 =	sshll.u32 s28, $0x1;
	[dreg:$0x2] =	wrdreg s4  }
0xaa: {  	[dreg:$0x3] =	wrdreg s6  }
0xab: {  	[dreg:$0x4] =	wrdreg $0xC0  }
0xac: {  	_ =	task [dreg:s8], $0x5FFFF  }
0xad: {  	[dreg:$0x1] =	wrdreg $0xFFFFFFFF  }
0xae: {  	[dreg:$0x0] =	wrdreg $0x60  }
0xaf: {  	[dreg:$0x2] =	wrdreg s2  }
0xb0: {  	[dreg:$0x3] =	wrdreg s24  }
0xb1: {  	[dreg:$0x4] =	wrdreg s18  }
0xb2: {  	[dreg:$0x5] =	wrdreg $0x9  }
0xb3: {  	_ =	task.clear_ibuf [dreg:s8], $0x6FFFF;
	_ =	strace $0x90000046  }
0xb4: {  	s29 =	simm.s32 $0x9;
	_ =	strace $0x80000048  }
0xb5: {  	_ =	swait.ge [sflag:s29], $0x1  }
0xb6: {  	[sflag:s29] =	ssyncadd.s32 $0xFFFFFFFF  }
0xb7: {  	_ =	strace $0x90000048  }
0xb8: {  	_ =	sfence  }
0xb9: {  	s30 =	sld [smem:$0x0];
	_ =	sdelay $0x2  }
0xba: {  	s31 =	sshll.u32 s1, $0xD;
	s1 =	sshrl.u32 s1, $0x2  }
0xbb: {  	s3 =	sand.u32 $0x4000, s31;
	s1 =	sadd.s32 s1, s30  }
0xbc: {  	s0 =	sor.u32 s3, s0;
	s1 =	sshll.u32 s1, $0x11  }
0xbd: {  	s0 =	sor.u32 s1, s0  }
0xbe: {  	s0 =	sadd.s32 $0x8F2B, s0  }
0xbf: {  	[sflag:s0] =	ssyncadd.remote.s32 $0x1  }
0xc0: {  	_ =	sfence.sel $0xFFFF  }
0xc1: {  	[dreg:$0x0] =	wrdreg $0xFFFFFFFF;
	(pc) =	sbr.abs _section_cstart, $3  }
0xc2: {  	[dreg:$0x1] =	wrdreg $0xFFFFFFFF  }
0xc3: {  	_ =	task.clear_ibuf [dreg:s8], $0x2FFFF;
	_ =	strace $0x9FFFFFFF  }
0xc4: {  	(tm) =	ssettm $0x7FFFFFFF  }
0xc5: {  	_ =	shalt  }
tec
execute0_lowered:
.L_overlay_start_1:
0x0: {  	(tag) =	ssettag $0x1  }
0x1: {  	s1 =	rddreg [dreg:$0x0]  }
0x2: {  	s2 =	srdreg.scid;
	s4 =	rddreg [dreg:$0x1]  }
0x3: {  	s0 =	stileid.u32;
	s6 =	rddreg [dreg:$0x2]  }
0x4: {  	s3 =	simm.s32 $0x0;
	s11 =	simm.s32 $0x1880;
	s5 =	sand.u32 $0x1, s2  }
0x5: {  	s12 =	simm.s32 $0x1;
	s7 =	sshll.u32 s0, $0x6;
	s8 =	sshll.u32 s5, $0x5  }
0x6: {  	s2 =	rddreg [dreg:$0x3];
	s5 =	ssub.s32 $0x2, s5;
	s7 =	sor.u32 s8, s7  }
0x7: {  	v4 =	vlaneseq.u32;
	vm0 =	vmmov $0xffff;
	[smem:$0x7FF] =	sst s3;
	s10 =	sshrl.u32 s5, $0x1;
	s8 =	sor.u32 $0x10, s7  }
0x8: {  	v2 =	vand.u32 $0x7, v4;
	_ =	strace $0x80000047;
	v0 =	vmov s7;
	s9 =	sshrl.u32 s7, $0x3;
	s30 =	ssub.s32 s5, s10;
	v1 =	vmov s8  }
0x9: {  	v3 =	vshrl.u32 v4, $0x3;
	s31 =	sshll.u32 s7, $0x5;
	s7 =	simm.s32 $0x2;
	s10 =	simm.s32 $0x1080;
	v0 =	vshrl.u32 v0, $0x4;
	v1 =	vshrl.u32 v1, $0x4  }
0xa: {  	v4 =	vor.u32 $0x8, v4;
	s4 =	sadd.s32 s9, s4;
	s5 =	sadd.s32 s6, s31;
	s6 =	smax.u32 s30, $0x1;
	v0 =	vshll.u32 v0, $0x9;
	v1 =	vshll.u32 v1, $0x9  }
0xb: {  	v3 =	vmul.u32 $0x8, v3;
	s8 =	simm.s32 $0x80;
	s9 =	simm.s32 $0x880;
	s4 =	sadd.s32 $0x2800, s4;
	v0 =	vbroadcast v0, $0x0;
	v1 =	vbroadcast v1, $0x0  }
.LBB2_1:
0xc: {  	[tilespmem:s3], [sflag:$0x2] =	stream.linear.gather [hbm4b:s4+s3], $0x20, $0x38;
	[tilespmem:$0x2080] =	vst v63  }
0xd: {  	_ =	swait.ge [sflag:s7], $0x20  }
0xe: {  	[sflag:s7] =	ssyncset.done $0x0  }
0xf: {  	[sflag:s7] =	ssyncadd.s32 $0xFFFFFFE0  }
0x10: {  	v5 =	vld [tilespmem:$0x0];
	_ =	sdelay $0x4  }
0x11: {  	v6 =	vadd.s32 v0, v5  }
0x12: {  	v7 =	vshll.u32 v6, $0x1  }
0x13: {  	v5 =	vand.u32 $0x7, v5;
	v7 =	vand.u32 $0xFFFFFFF0, v7  }
0x14: {  	v5 =	vor.u32 v5, v7  }
0x15: {  	v7 =	vld [tilespmem:$0x10];
	v8 =	vperm.xlane v5, v2;
	_ =	sdelay $0x1  }
0x16: {  	v5 =	vperm.xlane v5, v4;
	v8 =	vadd.s32 v3, v8;
	_ =	sdelay $0x1  }
0x17: {  	v5 =	vadd.s32 v3, v5  }
0x18: {  	[tilespmem:$0x0] =	vst v6;
	v6 =	vadd.s32 v1, v7  }
0x19: {  	[tilespmem:$0x10] =	vst v6  }
0x1a: {  	[tilespmem:s8], [sflag:$0x1] =	stream.indirect_vreg.gather [hbm4b:s1+s3], $0x80, v8, vm0, $0xb8;
	[tilespmem:$0x2080] =	vst v63  }
0x1b: {  	_ = 	snop  }
0x1c: {  	[tilespmem:s9], [sflag:$0x1] =	stream.indirect_vreg.gather [hbm4b:s1+s3], $0x80, v5, vm0, $0xb8;
	[tilespmem:$0x2080] =	vst v63  }
0x1d: {  	v5 =	vld [tilespmem:$0x10];
	_ =	sdelay $0x4  }
0x1e: {  	v6 =	vshll.u32 v5, $0x1  }
0x1f: {  	v5 =	vand.u32 $0x7, v5;
	v6 =	vand.u32 $0xFFFFFFF0, v6  }
0x20: {  	v5 =	vor.u32 v5, v6  }
0x21: {  	v6 =	vperm.xlane v5, v2;
	_ =	sdelay $0x1  }
0x22: {  	v5 =	vperm.xlane v5, v4;
	v6 =	vadd.s32 v3, v6;
	_ =	sdelay $0x1  }
0x23: {  	v5 =	vadd.s32 v3, v5;
	_ =	sdelay $0x2  }
0x24: {  	[tilespmem:s10], [sflag:$0x1] =	stream.indirect_vreg.gather [hbm4b:s1+s3], $0x80, v6, vm0, $0xb8;
	[tilespmem:$0x2080] =	vst v63  }
0x25: {  	_ = 	snop  }
0x26: {  	[tilespmem:s11], [sflag:$0x1] =	stream.indirect_vreg.gather [hbm4b:s1+s3], $0x80, v5, vm0, $0xb8;
	[tilespmem:$0x2080] =	vst v63  }
0x27: {  	_ =	swait.ge [sflag:s12], $0x2000  }
0x28: {  	p0 =	sne.s32 s6, $0x1;
	[sflag:s12] =	ssyncset.done $0x0  }
.Ltmp0:
0x29: {  	[sflag:s12] =	ssyncadd.s32 $0xFFFFE000;
	(pc) =	sbr.rel @p0 .LBB2_1-.Ltmp0, $4  }
0x2a: {  	[hbm4b:s5+s3] =	stream.linear.scatter [tilespmem:s8], [sflag:$0x2], $0x2000, $0x38;
	[tilespmem:$0x2080] =	vst v63  }
0x2b: {  	_ =	swait.ge [sflag:s7], $0x2000  }
0x2c: {  	[sflag:s7] =	ssyncset.done $0x0  }
0x2d: {  	s6 =	sadd.s32 $0xFFFFFFFF, s6;
	[sflag:s7] =	ssyncadd.s32 $0xFFFFE000  }
0x2e: {  	_ =	sfence.sel $0x180000  }
0x2f: {  	[bflag:$0x0] =	sbarrier.arrive $0xFFFF  }
0x30: {  	p0 =	sne.s32 s0, $0x0;
	_ =	strace $0x90000047  }
0x31: {  	s0 =	sadd.s32 @!p0 $0x100000, s2;
	[bflag:$0x2] =	sbarrier.arrive $0xFFFF  }
0x32: {  	[sflag:s0] =	ssyncadd.tile.s32 @!p0 $0x1;
	_ =	shalt  }
.Lfunc_end2:
_tile_overlayer_lowered:
.L_overlay_start_2:
0x33: {  	(tag) =	ssettag $0x2  }
0x34: {  	s0 =	rddreg [dreg:$0x0];
	s2 =	stileid.u32  }
0x35: {  	s1 =	rddreg [dreg:$0x1];
	p0 =	sne.s32 s2, $0x0  }
0x36: {  	s3 =	rddreg [dreg:$0x2];
	[bflag:$0x3] =	sbarrier.arrive $0xFFFF;
	s2 =	simm.s32 @!p0 $0x1C02  }
0x37: {  	[timem:s3], [sflag:s2] =	dma.local @!p0 [hbm:s0], s1  }
0x38: {  	s0 =	simm.s32 @!p0 $0x2  }
0x39: {  	_ =	swait.ge @!p0 [sflag:s0], s1  }
0x3a: {  	s1 =	ssub.s32 @!p0 $0x0, s1;
	[sflag:s0] =	ssyncset.done @!p0 $0x0  }
0x3b: {  	[sflag:s0] =	ssyncadd.s32 @!p0 s1  }
0x3c: {  	[bflag:$0x3] =	sbarrier.arrive $0xFFFF  }
0x3d: {  	_ =	shalt  }

</sc_bundles>
